<compile_context>
chip_gen: v7x
topology: tpu7x:2x2x1
jax: 0.10.2.dev20260603
libtpu: 0.0.44.dev20260713+nightly
codegen_flags: <defaults>
</compile_context>

<pallas_src>
import functools

import jax
import jax.numpy as jnp
from jax import lax
from jax.experimental import pallas as pl
from jax.experimental.pallas import tpu as pltpu
from jax.experimental.pallas import tpu_sc as plsc

VOCAB = 100000
EMB_DIM = 768
BATCH = 16384
NCHUNK = 4
CB = BATCH // NCHUNK



def _sc_gather(table, idx, chunk):
    info = plsc.get_sparse_core_info()
    nw = info.num_cores * info.num_subcores
    b_per_w = CB // nw
    CH = min(b_per_w, 64)
    n_st = b_per_w // CH

    mesh = plsc.VectorSubcoreMesh(core_axis_name="c", subcore_axis_name="s")

    @functools.partial(
        pl.kernel,
        mesh=mesh,
        out_type=jax.ShapeDtypeStruct((CB, EMB_DIM), jnp.float32),
        scratch_types=[
            pltpu.VMEM((b_per_w,), jnp.int32),
            pltpu.VMEM((CH, EMB_DIM), jnp.float32),
            pltpu.VMEM((CH, EMB_DIM), jnp.float32),
            pltpu.SemaphoreType.DMA,
            pltpu.SemaphoreType.DMA,
            pltpu.SemaphoreType.DMA,
        ],
    )
    def gather_kernel(table_hbm, idx_hbm, out_hbm, idx_v, rows_a, rows_b,
                      sem_g, sem_wa, sem_wb):
        wid = lax.axis_index("s") * info.num_cores + lax.axis_index("c")
        base = wid * b_per_w
        pltpu.sync_copy(idx_hbm.at[pl.ds(chunk * CB + base, b_per_w)], idx_v)

        bufs = (rows_a, rows_b)
        wsems = (sem_wa, sem_wb)
        pltpu.async_copy(
            table_hbm.at[idx_v.at[pl.ds(0, CH)]], bufs[0], sem_g
        ).wait()
        for s in range(n_st):
            buf, wsem = bufs[s % 2], wsems[s % 2]
            if s + 1 < n_st:
                nbuf = bufs[(s + 1) % 2]
                if s + 1 >= 2:
                    pltpu.make_async_copy(
                        nbuf, out_hbm.at[pl.ds(0, CH)], wsems[(s + 1) % 2]
                    ).wait()
                gcp = pltpu.async_copy(
                    table_hbm.at[idx_v.at[pl.ds((s + 1) * CH, CH)]], nbuf, sem_g
                )
            pltpu.async_copy(buf, out_hbm.at[pl.ds(base + s * CH, CH)], wsem)
            if s + 1 < n_st:
                gcp.wait()
        for s in range(max(0, n_st - 2), n_st):
            pltpu.make_async_copy(
                bufs[s % 2], out_hbm.at[pl.ds(0, CH)], wsems[s % 2]
            ).wait()

    return gather_kernel(table, idx)



_BM = 2048


def _mm_common(x_ref, w_ref, tt_ref, wl_ref, b_ref, o_ref):
    w1 = w_ref[:, :EMB_DIM]
    acc = lax.dot_general(
        x_ref[...].astype(jnp.bfloat16), w1.astype(jnp.bfloat16),
        (((1,), (1,)), ((), ())),
        preferred_element_type=jnp.float32,
    )
    o_ref[...] = acc + tt_ref[...] * wl_ref[...] + b_ref[...]


def _mm_body_first(x_ref, w_ref, tt_ref, wl_ref, b_ref, o_ref):
    _mm_common(x_ref, w_ref, tt_ref, wl_ref, b_ref, o_ref)


def _mm_body_alias(o_hbm_ref, x_ref, w_ref, tt_ref, wl_ref, b_ref, o_ref):
    del o_hbm_ref
    _mm_common(x_ref, w_ref, tt_ref, wl_ref, b_ref, o_ref)


def _tc_linear_chunk(out_buf, emb, tt, W2, wlast, b2, chunk):
    nblk = CB // _BM
    blk0 = chunk * nblk
    data_specs = [
        pl.BlockSpec((_BM, EMB_DIM), lambda i: (i, 0)),
        pl.BlockSpec((EMB_DIM, EMB_DIM + 1), lambda i: (0, 0)),
        pl.BlockSpec((_BM, 1), lambda i, b=blk0: (b + i, 0)),
        pl.BlockSpec((1, EMB_DIM), lambda i: (0, 0)),
        pl.BlockSpec((1, EMB_DIM), lambda i: (0, 0)),
    ]
    if out_buf is None:
        body, in_specs, alias, args = (
            _mm_body_first, data_specs, {}, (emb, W2, tt, wlast, b2))
    else:
        body = _mm_body_alias
        in_specs = [pl.BlockSpec(memory_space=pltpu.MemorySpace.HBM)] + data_specs
        alias = {0: 0}
        args = (out_buf, emb, W2, tt, wlast, b2)
    return pl.pallas_call(
        body,
        grid=(nblk,),
        in_specs=in_specs,
        out_specs=pl.BlockSpec((_BM, EMB_DIM), lambda i, b=blk0: (b + i, 0)),
        out_shape=jax.ShapeDtypeStruct((BATCH, EMB_DIM), jnp.float32),
        input_output_aliases=alias,
    )(*args)


def kernel(qubit, total_time, emb_table, W, b):
    idx = qubit.astype(jnp.int32)
    b2 = b.reshape(1, EMB_DIM)
    wlast = W[:, EMB_DIM].reshape(1, EMB_DIM)

    embs = [_sc_gather(emb_table, idx, c) for c in range(NCHUNK)]
    out = None
    for c in range(NCHUNK):
        out = _tc_linear_chunk(out, embs[c], total_time, W, wlast, b2, c)
    return out

# --- scband reference (transcript-rebuilt; emitter-appended) ---
"""Pipeline reference for scband-embeddings-wrapper-17901423690069 (READ-ONLY COPY).

The authoritative reference and input builder live on the scoring server;
editing this copy changes nothing except your own understanding.
"""

import jax, jax.numpy as jnp
import numpy as np

VOCAB = 100000
EMB_DIM = 768
BATCH = 16384

def setup_inputs(seed: int = 0) -> dict:
    key = jax.random.key(seed)
    k1, k2, k3, k4, k5 = jax.random.split(key, 5)
    qubit = jax.random.randint(k1, (BATCH,), 0, VOCAB, dtype=jnp.int64 if jax.config.jax_enable_x64 else jnp.int32)
    total_time = jax.random.normal(k2, (BATCH, 1), dtype=jnp.float32)
    emb_table = jax.random.normal(k3, (VOCAB, EMB_DIM), dtype=jnp.float32)
    # torch Linear(769, 768): weight [768, 769], bias [768]
    W = jax.random.normal(k4, (768, 769), dtype=jnp.float32) * (1.0 / np.sqrt(769.0))
    b = jax.random.normal(k5, (768,), dtype=jnp.float32) * 0.01
    return {"qubit": qubit, "total_time": total_time, "emb_table": emb_table, "W": W, "b": b}

def reference(qubit, total_time, emb_table, W, b):
    # ipt = (qubit, total_time)
    emb = jnp.take(emb_table, qubit, axis=0)              # [B, 768] gather (SparseCore)
    x = jnp.concatenate([emb, total_time], axis=1)        # [B, 769]
    out = x @ W.T + b                                     # Linear(769 -> 768)
    return out

if __name__ == "__main__":
    import jax
    _d = setup_inputs()
    print(jax.jit(kernel)(*tuple(_d.values())))

</pallas_src>

<mosaic_0001>
#map = affine_map<(d0, d1) -> (0, 0)>
#map1 = affine_map<(d0, d1) -> (0)>
module attributes {stable_mosaic.version = 14 : i64} {
  func.func @gather_kernel(%arg0: i32, %arg1: i32, %arg2: memref<100000x768xf32, #tpu.memory_space<hbm>>, %arg3: memref<16384xi32, #tpu.memory_space<hbm>>, %arg4: memref<4096x768xf32, #tpu.memory_space<hbm>>, %arg5: memref<128xi32, #tpu.memory_space<vmem>>, %arg6: memref<64x768xf32, #tpu.memory_space<vmem>>, %arg7: memref<64x768xf32, #tpu.memory_space<vmem>>, %arg8: memref<!tpu.dma_semaphore, #tpu.memory_space<semaphore_mem>>, %arg9: memref<!tpu.dma_semaphore, #tpu.memory_space<semaphore_mem>>, %arg10: memref<!tpu.dma_semaphore, #tpu.memory_space<semaphore_mem>>) attributes {dimension_semantics = [#tpu.dimension_semantics<core_parallel>, #tpu.dimension_semantics<subcore_parallel>], iteration_bounds = array<i64: 2, 16>, scalar_prefetch = 0 : i64, scratch_operands = 6 : i64, tpu.core_type = #tpu.core_type<sc_vector_subcore>, window_params = [{transform_indices = #map}, {transform_indices = #map1}, {transform_indices = #map}]} {
    %mul3A = arith.constant 2 : i32
    %mul3A_0 = arith.muli %arg1, %mul3A : i32
    %add3A = arith.addi %mul3A_0, %arg0 : i32
    %mul3A_1 = arith.constant 128 : i32
    %mul3A_2 = arith.muli %add3A, %mul3A_1 : i32
    %add3A_3 = arith.constant 0 : i32
    %add3A_4 = arith.addi %add3A_3, %mul3A_2 : i32
    "tpu.region"() ({
      %run_scoped3A = tpu.sem_alloc : memref<!tpu.dma_semaphore, #tpu.memory_space<semaphore_mem>>
      %dma_start3A_47 = tpu.memref_slice %arg3[%add3A_4] : memref<16384xi32, #tpu.memory_space<hbm>> -> memref<128xi32, #tpu.memory_space<hbm>>
      %dma_start3A_48 = tpu.memref_slice %arg3[%add3A_4] : memref<16384xi32, #tpu.memory_space<hbm>> -> memref<128xi32, #tpu.memory_space<hbm>>
      tpu.enqueue_dma source(%dma_start3A_48 : memref<128xi32, #tpu.memory_space<hbm>>) target(%arg5 : memref<128xi32, #tpu.memory_space<vmem>>) target_semaphore(%run_scoped3A : memref<!tpu.dma_semaphore, #tpu.memory_space<semaphore_mem>>)
      %dma_wait3A_49 = tpu.memref_slice %arg3[%add3A_4] : memref<16384xi32, #tpu.memory_space<hbm>> -> memref<128xi32, #tpu.memory_space<hbm>>
      %dma_wait3A_50 = tpu.memref_slice %arg3[%add3A_4] : memref<16384xi32, #tpu.memory_space<hbm>> -> memref<128xi32, #tpu.memory_space<hbm>>
      tpu.wait_dma2 semaphore(%run_scoped3A : memref<!tpu.dma_semaphore, #tpu.memory_space<semaphore_mem>>) src(%dma_wait3A_50 : memref<128xi32, #tpu.memory_space<hbm>>) dst(%arg5 : memref<128xi32, #tpu.memory_space<vmem>>)
      tpu.yield
    }) : () -> ()
    %dma_start3A = arith.constant 0 : i32
    %dma_start3A_5 = tpu.memref_slice %arg5[%dma_start3A] : memref<128xi32, #tpu.memory_space<vmem>> -> memref<64xi32, #tpu.memory_space<vmem>>
    %dma_start3A_6 = arith.constant 0 : i32
    %dma_start3A_7 = arith.constant 0 : i32
    %dma_start3A_8 = tpu.memref_slice %arg2[%dma_start3A_6, %dma_start3A_7] : memref<100000x768xf32, #tpu.memory_space<hbm>> -> memref<100000x768xf32, #tpu.memory_space<hbm>>
    tpu.enqueue_indirect_dma source(%dma_start3A_8 : memref<100000x768xf32, #tpu.memory_space<hbm>>) target(%arg6 : memref<64x768xf32, #tpu.memory_space<vmem>>) offsets(%dma_start3A_5 : memref<64xi32, #tpu.memory_space<vmem>>) semaphore(%arg8 : memref<!tpu.dma_semaphore, #tpu.memory_space<semaphore_mem>>)
    %dma_wait3A = arith.constant 0 : i32
    %dma_wait3A_9 = tpu.memref_slice %arg5[%dma_wait3A] : memref<128xi32, #tpu.memory_space<vmem>> -> memref<64xi32, #tpu.memory_space<vmem>>
    %dma_wait3A_10 = arith.constant 0 : i32
    %dma_wait3A_11 = arith.constant 0 : i32
    %dma_wait3A_12 = tpu.memref_slice %arg2[%dma_wait3A_10, %dma_wait3A_11] : memref<100000x768xf32, #tpu.memory_space<hbm>> -> memref<100000x768xf32, #tpu.memory_space<hbm>>
    tpu.wait_indirect_dma semaphore(%arg8 : memref<!tpu.dma_semaphore, #tpu.memory_space<semaphore_mem>>) src(%dma_wait3A_12 : memref<100000x768xf32, #tpu.memory_space<hbm>>) dst(%arg6 : memref<64x768xf32, #tpu.memory_space<vmem>>)
    %dma_start3A_13 = arith.constant 64 : i32
    %dma_start3A_14 = tpu.memref_slice %arg5[%dma_start3A_13] : memref<128xi32, #tpu.memory_space<vmem>> -> memref<64xi32, #tpu.memory_space<vmem>>
    %dma_start3A_15 = arith.constant 0 : i32
    %dma_start3A_16 = arith.constant 0 : i32
    %dma_start3A_17 = tpu.memref_slice %arg2[%dma_start3A_15, %dma_start3A_16] : memref<100000x768xf32, #tpu.memory_space<hbm>> -> memref<100000x768xf32, #tpu.memory_space<hbm>>
    tpu.enqueue_indirect_dma source(%dma_start3A_17 : memref<100000x768xf32, #tpu.memory_space<hbm>>) target(%arg7 : memref<64x768xf32, #tpu.memory_space<vmem>>) offsets(%dma_start3A_14 : memref<64xi32, #tpu.memory_space<vmem>>) semaphore(%arg8 : memref<!tpu.dma_semaphore, #tpu.memory_space<semaphore_mem>>)
    %add3A_18 = arith.constant 0 : i32
    %add3A_19 = arith.addi %mul3A_2, %add3A_18 : i32
    %dma_start3A_20 = arith.constant 0 : i32
    %dma_start3A_21 = tpu.memref_slice %arg4[%add3A_19, %dma_start3A_20] : memref<4096x768xf32, #tpu.memory_space<hbm>> -> memref<64x768xf32, #tpu.memory_space<hbm>>
    %dma_start3A_22 = arith.constant 0 : i32
    %dma_start3A_23 = tpu.memref_slice %arg4[%add3A_19, %dma_start3A_22] : memref<4096x768xf32, #tpu.memory_space<hbm>> -> memref<64x768xf32, #tpu.memory_space<hbm>>
    tpu.enqueue_dma source(%arg6 : memref<64x768xf32, #tpu.memory_space<vmem>>) target(%dma_start3A_23 : memref<64x768xf32, #tpu.memory_space<hbm>>) target_semaphore(%arg9 : memref<!tpu.dma_semaphore, #tpu.memory_space<semaphore_mem>>)
    %dma_wait3A_24 = arith.constant 64 : i32
    %dma_wait3A_25 = tpu.memref_slice %arg5[%dma_wait3A_24] : memref<128xi32, #tpu.memory_space<vmem>> -> memref<64xi32, #tpu.memory_space<vmem>>
    %dma_wait3A_26 = arith.constant 0 : i32
    %dma_wait3A_27 = arith.constant 0 : i32
    %dma_wait3A_28 = tpu.memref_slice %arg2[%dma_wait3A_26, %dma_wait3A_27] : memref<100000x768xf32, #tpu.memory_space<hbm>> -> memref<100000x768xf32, #tpu.memory_space<hbm>>
    tpu.wait_indirect_dma semaphore(%arg8 : memref<!tpu.dma_semaphore, #tpu.memory_space<semaphore_mem>>) src(%dma_wait3A_28 : memref<100000x768xf32, #tpu.memory_space<hbm>>) dst(%arg7 : memref<64x768xf32, #tpu.memory_space<vmem>>)
    %add3A_29 = arith.constant 64 : i32
    %add3A_30 = arith.addi %mul3A_2, %add3A_29 : i32
    %dma_start3A_31 = arith.constant 0 : i32
    %dma_start3A_32 = tpu.memref_slice %arg4[%add3A_30, %dma_start3A_31] : memref<4096x768xf32, #tpu.memory_space<hbm>> -> memref<64x768xf32, #tpu.memory_space<hbm>>
    %dma_start3A_33 = arith.constant 0 : i32
    %dma_start3A_34 = tpu.memref_slice %arg4[%add3A_30, %dma_start3A_33] : memref<4096x768xf32, #tpu.memory_space<hbm>> -> memref<64x768xf32, #tpu.memory_space<hbm>>
    tpu.enqueue_dma source(%arg7 : memref<64x768xf32, #tpu.memory_space<vmem>>) target(%dma_start3A_34 : memref<64x768xf32, #tpu.memory_space<hbm>>) target_semaphore(%arg10 : memref<!tpu.dma_semaphore, #tpu.memory_space<semaphore_mem>>)
    %dma_wait3A_35 = arith.constant 0 : i32
    %dma_wait3A_36 = arith.constant 0 : i32
    %dma_wait3A_37 = tpu.memref_slice %arg4[%dma_wait3A_35, %dma_wait3A_36] : memref<4096x768xf32, #tpu.memory_space<hbm>> -> memref<64x768xf32, #tpu.memory_space<hbm>>
    %dma_wait3A_38 = arith.constant 0 : i32
    %dma_wait3A_39 = arith.constant 0 : i32
    %dma_wait3A_40 = tpu.memref_slice %arg4[%dma_wait3A_38, %dma_wait3A_39] : memref<4096x768xf32, #tpu.memory_space<hbm>> -> memref<64x768xf32, #tpu.memory_space<hbm>>
    tpu.wait_dma2 semaphore(%arg9 : memref<!tpu.dma_semaphore, #tpu.memory_space<semaphore_mem>>) src(%arg6 : memref<64x768xf32, #tpu.memory_space<vmem>>) dst(%dma_wait3A_40 : memref<64x768xf32, #tpu.memory_space<hbm>>)
    %dma_wait3A_41 = arith.constant 0 : i32
    %dma_wait3A_42 = arith.constant 0 : i32
    %dma_wait3A_43 = tpu.memref_slice %arg4[%dma_wait3A_41, %dma_wait3A_42] : memref<4096x768xf32, #tpu.memory_space<hbm>> -> memref<64x768xf32, #tpu.memory_space<hbm>>
    %dma_wait3A_44 = arith.constant 0 : i32
    %dma_wait3A_45 = arith.constant 0 : i32
    %dma_wait3A_46 = tpu.memref_slice %arg4[%dma_wait3A_44, %dma_wait3A_45] : memref<4096x768xf32, #tpu.memory_space<hbm>> -> memref<64x768xf32, #tpu.memory_space<hbm>>
    tpu.wait_dma2 semaphore(%arg10 : memref<!tpu.dma_semaphore, #tpu.memory_space<semaphore_mem>>) src(%arg7 : memref<64x768xf32, #tpu.memory_space<vmem>>) dst(%dma_wait3A_46 : memref<64x768xf32, #tpu.memory_space<hbm>>)
    return
  }
}

#map = affine_map<(d0, d1) -> (0, 0)>
#map1 = affine_map<(d0, d1) -> (0)>
module attributes {stable_mosaic.version = 14 : i64} {
  func.func @gather_kernel(%arg0: i32, %arg1: i32, %arg2: memref<100000x768xf32, #tpu.memory_space<hbm>>, %arg3: memref<16384xi32, #tpu.memory_space<hbm>>, %arg4: memref<4096x768xf32, #tpu.memory_space<hbm>>, %arg5: memref<128xi32, #tpu.memory_space<vmem>>, %arg6: memref<64x768xf32, #tpu.memory_space<vmem>>, %arg7: memref<64x768xf32, #tpu.memory_space<vmem>>, %arg8: memref<!tpu.dma_semaphore, #tpu.memory_space<semaphore_mem>>, %arg9: memref<!tpu.dma_semaphore, #tpu.memory_space<semaphore_mem>>, %arg10: memref<!tpu.dma_semaphore, #tpu.memory_space<semaphore_mem>>) attributes {dimension_semantics = [#tpu.dimension_semantics<core_parallel>, #tpu.dimension_semantics<subcore_parallel>], iteration_bounds = array<i64: 2, 16>, scalar_prefetch = 0 : i64, scratch_operands = 6 : i64, tpu.core_type = #tpu.core_type<sc_vector_subcore>, window_params = [{transform_indices = #map}, {transform_indices = #map1}, {transform_indices = #map}]} {
    %mul3A = arith.constant 2 : i32
    %mul3A_0 = arith.muli %arg1, %mul3A : i32
    %add3A = arith.addi %mul3A_0, %arg0 : i32
    %mul3A_1 = arith.constant 128 : i32
    %mul3A_2 = arith.muli %add3A, %mul3A_1 : i32
    %add3A_3 = arith.constant 4096 : i32
    %add3A_4 = arith.addi %add3A_3, %mul3A_2 : i32
    "tpu.region"() ({
      %run_scoped3A = tpu.sem_alloc : memref<!tpu.dma_semaphore, #tpu.memory_space<semaphore_mem>>
      %dma_start3A_47 = tpu.memref_slice %arg3[%add3A_4] : memref<16384xi32, #tpu.memory_space<hbm>> -> memref<128xi32, #tpu.memory_space<hbm>>
      %dma_start3A_48 = tpu.memref_slice %arg3[%add3A_4] : memref<16384xi32, #tpu.memory_space<hbm>> -> memref<128xi32, #tpu.memory_space<hbm>>
      tpu.enqueue_dma source(%dma_start3A_48 : memref<128xi32, #tpu.memory_space<hbm>>) target(%arg5 : memref<128xi32, #tpu.memory_space<vmem>>) target_semaphore(%run_scoped3A : memref<!tpu.dma_semaphore, #tpu.memory_space<semaphore_mem>>)
      %dma_wait3A_49 = tpu.memref_slice %arg3[%add3A_4] : memref<16384xi32, #tpu.memory_space<hbm>> -> memref<128xi32, #tpu.memory_space<hbm>>
      %dma_wait3A_50 = tpu.memref_slice %arg3[%add3A_4] : memref<16384xi32, #tpu.memory_space<hbm>> -> memref<128xi32, #tpu.memory_space<hbm>>
      tpu.wait_dma2 semaphore(%run_scoped3A : memref<!tpu.dma_semaphore, #tpu.memory_space<semaphore_mem>>) src(%dma_wait3A_50 : memref<128xi32, #tpu.memory_space<hbm>>) dst(%arg5 : memref<128xi32, #tpu.memory_space<vmem>>)
      tpu.yield
    }) : () -> ()
    %dma_start3A = arith.constant 0 : i32
    %dma_start3A_5 = tpu.memref_slice %arg5[%dma_start3A] : memref<128xi32, #tpu.memory_space<vmem>> -> memref<64xi32, #tpu.memory_space<vmem>>
    %dma_start3A_6 = arith.constant 0 : i32
    %dma_start3A_7 = arith.constant 0 : i32
    %dma_start3A_8 = tpu.memref_slice %arg2[%dma_start3A_6, %dma_start3A_7] : memref<100000x768xf32, #tpu.memory_space<hbm>> -> memref<100000x768xf32, #tpu.memory_space<hbm>>
    tpu.enqueue_indirect_dma source(%dma_start3A_8 : memref<100000x768xf32, #tpu.memory_space<hbm>>) target(%arg6 : memref<64x768xf32, #tpu.memory_space<vmem>>) offsets(%dma_start3A_5 : memref<64xi32, #tpu.memory_space<vmem>>) semaphore(%arg8 : memref<!tpu.dma_semaphore, #tpu.memory_space<semaphore_mem>>)
    %dma_wait3A = arith.constant 0 : i32
    %dma_wait3A_9 = tpu.memref_slice %arg5[%dma_wait3A] : memref<128xi32, #tpu.memory_space<vmem>> -> memref<64xi32, #tpu.memory_space<vmem>>
    %dma_wait3A_10 = arith.constant 0 : i32
    %dma_wait3A_11 = arith.constant 0 : i32
    %dma_wait3A_12 = tpu.memref_slice %arg2[%dma_wait3A_10, %dma_wait3A_11] : memref<100000x768xf32, #tpu.memory_space<hbm>> -> memref<100000x768xf32, #tpu.memory_space<hbm>>
    tpu.wait_indirect_dma semaphore(%arg8 : memref<!tpu.dma_semaphore, #tpu.memory_space<semaphore_mem>>) src(%dma_wait3A_12 : memref<100000x768xf32, #tpu.memory_space<hbm>>) dst(%arg6 : memref<64x768xf32, #tpu.memory_space<vmem>>)
    %dma_start3A_13 = arith.constant 64 : i32
    %dma_start3A_14 = tpu.memref_slice %arg5[%dma_start3A_13] : memref<128xi32, #tpu.memory_space<vmem>> -> memref<64xi32, #tpu.memory_space<vmem>>
    %dma_start3A_15 = arith.constant 0 : i32
    %dma_start3A_16 = arith.constant 0 : i32
    %dma_start3A_17 = tpu.memref_slice %arg2[%dma_start3A_15, %dma_start3A_16] : memref<100000x768xf32, #tpu.memory_space<hbm>> -> memref<100000x768xf32, #tpu.memory_space<hbm>>
    tpu.enqueue_indirect_dma source(%dma_start3A_17 : memref<100000x768xf32, #tpu.memory_space<hbm>>) target(%arg7 : memref<64x768xf32, #tpu.memory_space<vmem>>) offsets(%dma_start3A_14 : memref<64xi32, #tpu.memory_space<vmem>>) semaphore(%arg8 : memref<!tpu.dma_semaphore, #tpu.memory_space<semaphore_mem>>)
    %add3A_18 = arith.constant 0 : i32
    %add3A_19 = arith.addi %mul3A_2, %add3A_18 : i32
    %dma_start3A_20 = arith.constant 0 : i32
    %dma_start3A_21 = tpu.memref_slice %arg4[%add3A_19, %dma_start3A_20] : memref<4096x768xf32, #tpu.memory_space<hbm>> -> memref<64x768xf32, #tpu.memory_space<hbm>>
    %dma_start3A_22 = arith.constant 0 : i32
    %dma_start3A_23 = tpu.memref_slice %arg4[%add3A_19, %dma_start3A_22] : memref<4096x768xf32, #tpu.memory_space<hbm>> -> memref<64x768xf32, #tpu.memory_space<hbm>>
    tpu.enqueue_dma source(%arg6 : memref<64x768xf32, #tpu.memory_space<vmem>>) target(%dma_start3A_23 : memref<64x768xf32, #tpu.memory_space<hbm>>) target_semaphore(%arg9 : memref<!tpu.dma_semaphore, #tpu.memory_space<semaphore_mem>>)
    %dma_wait3A_24 = arith.constant 64 : i32
    %dma_wait3A_25 = tpu.memref_slice %arg5[%dma_wait3A_24] : memref<128xi32, #tpu.memory_space<vmem>> -> memref<64xi32, #tpu.memory_space<vmem>>
    %dma_wait3A_26 = arith.constant 0 : i32
    %dma_wait3A_27 = arith.constant 0 : i32
    %dma_wait3A_28 = tpu.memref_slice %arg2[%dma_wait3A_26, %dma_wait3A_27] : memref<100000x768xf32, #tpu.memory_space<hbm>> -> memref<100000x768xf32, #tpu.memory_space<hbm>>
    tpu.wait_indirect_dma semaphore(%arg8 : memref<!tpu.dma_semaphore, #tpu.memory_space<semaphore_mem>>) src(%dma_wait3A_28 : memref<100000x768xf32, #tpu.memory_space<hbm>>) dst(%arg7 : memref<64x768xf32, #tpu.memory_space<vmem>>)
    %add3A_29 = arith.constant 64 : i32
    %add3A_30 = arith.addi %mul3A_2, %add3A_29 : i32
    %dma_start3A_31 = arith.constant 0 : i32
    %dma_start3A_32 = tpu.memref_slice %arg4[%add3A_30, %dma_start3A_31] : memref<4096x768xf32, #tpu.memory_space<hbm>> -> memref<64x768xf32, #tpu.memory_space<hbm>>
    %dma_start3A_33 = arith.constant 0 : i32
    %dma_start3A_34 = tpu.memref_slice %arg4[%add3A_30, %dma_start3A_33] : memref<4096x768xf32, #tpu.memory_space<hbm>> -> memref<64x768xf32, #tpu.memory_space<hbm>>
    tpu.enqueue_dma source(%arg7 : memref<64x768xf32, #tpu.memory_space<vmem>>) target(%dma_start3A_34 : memref<64x768xf32, #tpu.memory_space<hbm>>) target_semaphore(%arg10 : memref<!tpu.dma_semaphore, #tpu.memory_space<semaphore_mem>>)
    %dma_wait3A_35 = arith.constant 0 : i32
    %dma_wait3A_36 = arith.constant 0 : i32
    %dma_wait3A_37 = tpu.memref_slice %arg4[%dma_wait3A_35, %dma_wait3A_36] : memref<4096x768xf32, #tpu.memory_space<hbm>> -> memref<64x768xf32, #tpu.memory_space<hbm>>
    %dma_wait3A_38 = arith.constant 0 : i32
    %dma_wait3A_39 = arith.constant 0 : i32
    %dma_wait3A_40 = tpu.memref_slice %arg4[%dma_wait3A_38, %dma_wait3A_39] : memref<4096x768xf32, #tpu.memory_space<hbm>> -> memref<64x768xf32, #tpu.memory_space<hbm>>
    tpu.wait_dma2 semaphore(%arg9 : memref<!tpu.dma_semaphore, #tpu.memory_space<semaphore_mem>>) src(%arg6 : memref<64x768xf32, #tpu.memory_space<vmem>>) dst(%dma_wait3A_40 : memref<64x768xf32, #tpu.memory_space<hbm>>)
    %dma_wait3A_41 = arith.constant 0 : i32
    %dma_wait3A_42 = arith.constant 0 : i32
    %dma_wait3A_43 = tpu.memref_slice %arg4[%dma_wait3A_41, %dma_wait3A_42] : memref<4096x768xf32, #tpu.memory_space<hbm>> -> memref<64x768xf32, #tpu.memory_space<hbm>>
    %dma_wait3A_44 = arith.constant 0 : i32
    %dma_wait3A_45 = arith.constant 0 : i32
    %dma_wait3A_46 = tpu.memref_slice %arg4[%dma_wait3A_44, %dma_wait3A_45] : memref<4096x768xf32, #tpu.memory_space<hbm>> -> memref<64x768xf32, #tpu.memory_space<hbm>>
    tpu.wait_dma2 semaphore(%arg10 : memref<!tpu.dma_semaphore, #tpu.memory_space<semaphore_mem>>) src(%arg7 : memref<64x768xf32, #tpu.memory_space<vmem>>) dst(%dma_wait3A_46 : memref<64x768xf32, #tpu.memory_space<hbm>>)
    return
  }
}

#map = affine_map<(d0, d1) -> (0, 0)>
#map1 = affine_map<(d0, d1) -> (0)>
module attributes {stable_mosaic.version = 14 : i64} {
  func.func @gather_kernel(%arg0: i32, %arg1: i32, %arg2: memref<100000x768xf32, #tpu.memory_space<hbm>>, %arg3: memref<16384xi32, #tpu.memory_space<hbm>>, %arg4: memref<4096x768xf32, #tpu.memory_space<hbm>>, %arg5: memref<128xi32, #tpu.memory_space<vmem>>, %arg6: memref<64x768xf32, #tpu.memory_space<vmem>>, %arg7: memref<64x768xf32, #tpu.memory_space<vmem>>, %arg8: memref<!tpu.dma_semaphore, #tpu.memory_space<semaphore_mem>>, %arg9: memref<!tpu.dma_semaphore, #tpu.memory_space<semaphore_mem>>, %arg10: memref<!tpu.dma_semaphore, #tpu.memory_space<semaphore_mem>>) attributes {dimension_semantics = [#tpu.dimension_semantics<core_parallel>, #tpu.dimension_semantics<subcore_parallel>], iteration_bounds = array<i64: 2, 16>, scalar_prefetch = 0 : i64, scratch_operands = 6 : i64, tpu.core_type = #tpu.core_type<sc_vector_subcore>, window_params = [{transform_indices = #map}, {transform_indices = #map1}, {transform_indices = #map}]} {
    %mul3A = arith.constant 2 : i32
    %mul3A_0 = arith.muli %arg1, %mul3A : i32
    %add3A = arith.addi %mul3A_0, %arg0 : i32
    %mul3A_1 = arith.constant 128 : i32
    %mul3A_2 = arith.muli %add3A, %mul3A_1 : i32
    %add3A_3 = arith.constant 8192 : i32
    %add3A_4 = arith.addi %add3A_3, %mul3A_2 : i32
    "tpu.region"() ({
      %run_scoped3A = tpu.sem_alloc : memref<!tpu.dma_semaphore, #tpu.memory_space<semaphore_mem>>
      %dma_start3A_47 = tpu.memref_slice %arg3[%add3A_4] : memref<16384xi32, #tpu.memory_space<hbm>> -> memref<128xi32, #tpu.memory_space<hbm>>
      %dma_start3A_48 = tpu.memref_slice %arg3[%add3A_4] : memref<16384xi32, #tpu.memory_space<hbm>> -> memref<128xi32, #tpu.memory_space<hbm>>
      tpu.enqueue_dma source(%dma_start3A_48 : memref<128xi32, #tpu.memory_space<hbm>>) target(%arg5 : memref<128xi32, #tpu.memory_space<vmem>>) target_semaphore(%run_scoped3A : memref<!tpu.dma_semaphore, #tpu.memory_space<semaphore_mem>>)
      %dma_wait3A_49 = tpu.memref_slice %arg3[%add3A_4] : memref<16384xi32, #tpu.memory_space<hbm>> -> memref<128xi32, #tpu.memory_space<hbm>>
      %dma_wait3A_50 = tpu.memref_slice %arg3[%add3A_4] : memref<16384xi32, #tpu.memory_space<hbm>> -> memref<128xi32, #tpu.memory_space<hbm>>
      tpu.wait_dma2 semaphore(%run_scoped3A : memref<!tpu.dma_semaphore, #tpu.memory_space<semaphore_mem>>) src(%dma_wait3A_50 : memref<128xi32, #tpu.memory_space<hbm>>) dst(%arg5 : memref<128xi32, #tpu.memory_space<vmem>>)
      tpu.yield
    }) : () -> ()
    %dma_start3A = arith.constant 0 : i32
    %dma_start3A_5 = tpu.memref_slice %arg5[%dma_start3A] : memref<128xi32, #tpu.memory_space<vmem>> -> memref<64xi32, #tpu.memory_space<vmem>>
    %dma_start3A_6 = arith.constant 0 : i32
    %dma_start3A_7 = arith.constant 0 : i32
    %dma_start3A_8 = tpu.memref_slice %arg2[%dma_start3A_6, %dma_start3A_7] : memref<100000x768xf32, #tpu.memory_space<hbm>> -> memref<100000x768xf32, #tpu.memory_space<hbm>>
    tpu.enqueue_indirect_dma source(%dma_start3A_8 : memref<100000x768xf32, #tpu.memory_space<hbm>>) target(%arg6 : memref<64x768xf32, #tpu.memory_space<vmem>>) offsets(%dma_start3A_5 : memref<64xi32, #tpu.memory_space<vmem>>) semaphore(%arg8 : memref<!tpu.dma_semaphore, #tpu.memory_space<semaphore_mem>>)
    %dma_wait3A = arith.constant 0 : i32
    %dma_wait3A_9 = tpu.memref_slice %arg5[%dma_wait3A] : memref<128xi32, #tpu.memory_space<vmem>> -> memref<64xi32, #tpu.memory_space<vmem>>
    %dma_wait3A_10 = arith.constant 0 : i32
    %dma_wait3A_11 = arith.constant 0 : i32
    %dma_wait3A_12 = tpu.memref_slice %arg2[%dma_wait3A_10, %dma_wait3A_11] : memref<100000x768xf32, #tpu.memory_space<hbm>> -> memref<100000x768xf32, #tpu.memory_space<hbm>>
    tpu.wait_indirect_dma semaphore(%arg8 : memref<!tpu.dma_semaphore, #tpu.memory_space<semaphore_mem>>) src(%dma_wait3A_12 : memref<100000x768xf32, #tpu.memory_space<hbm>>) dst(%arg6 : memref<64x768xf32, #tpu.memory_space<vmem>>)
    %dma_start3A_13 = arith.constant 64 : i32
    %dma_start3A_14 = tpu.memref_slice %arg5[%dma_start3A_13] : memref<128xi32, #tpu.memory_space<vmem>> -> memref<64xi32, #tpu.memory_space<vmem>>
    %dma_start3A_15 = arith.constant 0 : i32
    %dma_start3A_16 = arith.constant 0 : i32
    %dma_start3A_17 = tpu.memref_slice %arg2[%dma_start3A_15, %dma_start3A_16] : memref<100000x768xf32, #tpu.memory_space<hbm>> -> memref<100000x768xf32, #tpu.memory_space<hbm>>
    tpu.enqueue_indirect_dma source(%dma_start3A_17 : memref<100000x768xf32, #tpu.memory_space<hbm>>) target(%arg7 : memref<64x768xf32, #tpu.memory_space<vmem>>) offsets(%dma_start3A_14 : memref<64xi32, #tpu.memory_space<vmem>>) semaphore(%arg8 : memref<!tpu.dma_semaphore, #tpu.memory_space<semaphore_mem>>)
    %add3A_18 = arith.constant 0 : i32
    %add3A_19 = arith.addi %mul3A_2, %add3A_18 : i32
    %dma_start3A_20 = arith.constant 0 : i32
    %dma_start3A_21 = tpu.memref_slice %arg4[%add3A_19, %dma_start3A_20] : memref<4096x768xf32, #tpu.memory_space<hbm>> -> memref<64x768xf32, #tpu.memory_space<hbm>>
    %dma_start3A_22 = arith.constant 0 : i32
    %dma_start3A_23 = tpu.memref_slice %arg4[%add3A_19, %dma_start3A_22] : memref<4096x768xf32, #tpu.memory_space<hbm>> -> memref<64x768xf32, #tpu.memory_space<hbm>>
    tpu.enqueue_dma source(%arg6 : memref<64x768xf32, #tpu.memory_space<vmem>>) target(%dma_start3A_23 : memref<64x768xf32, #tpu.memory_space<hbm>>) target_semaphore(%arg9 : memref<!tpu.dma_semaphore, #tpu.memory_space<semaphore_mem>>)
    %dma_wait3A_24 = arith.constant 64 : i32
    %dma_wait3A_25 = tpu.memref_slice %arg5[%dma_wait3A_24] : memref<128xi32, #tpu.memory_space<vmem>> -> memref<64xi32, #tpu.memory_space<vmem>>
    %dma_wait3A_26 = arith.constant 0 : i32
    %dma_wait3A_27 = arith.constant 0 : i32
    %dma_wait3A_28 = tpu.memref_slice %arg2[%dma_wait3A_26, %dma_wait3A_27] : memref<100000x768xf32, #tpu.memory_space<hbm>> -> memref<100000x768xf32, #tpu.memory_space<hbm>>
    tpu.wait_indirect_dma semaphore(%arg8 : memref<!tpu.dma_semaphore, #tpu.memory_space<semaphore_mem>>) src(%dma_wait3A_28 : memref<100000x768xf32, #tpu.memory_space<hbm>>) dst(%arg7 : memref<64x768xf32, #tpu.memory_space<vmem>>)
    %add3A_29 = arith.constant 64 : i32
    %add3A_30 = arith.addi %mul3A_2, %add3A_29 : i32
    %dma_start3A_31 = arith.constant 0 : i32
    %dma_start3A_32 = tpu.memref_slice %arg4[%add3A_30, %dma_start3A_31] : memref<4096x768xf32, #tpu.memory_space<hbm>> -> memref<64x768xf32, #tpu.memory_space<hbm>>
    %dma_start3A_33 = arith.constant 0 : i32
    %dma_start3A_34 = tpu.memref_slice %arg4[%add3A_30, %dma_start3A_33] : memref<4096x768xf32, #tpu.memory_space<hbm>> -> memref<64x768xf32, #tpu.memory_space<hbm>>
    tpu.enqueue_dma source(%arg7 : memref<64x768xf32, #tpu.memory_space<vmem>>) target(%dma_start3A_34 : memref<64x768xf32, #tpu.memory_space<hbm>>) target_semaphore(%arg10 : memref<!tpu.dma_semaphore, #tpu.memory_space<semaphore_mem>>)
    %dma_wait3A_35 = arith.constant 0 : i32
    %dma_wait3A_36 = arith.constant 0 : i32
    %dma_wait3A_37 = tpu.memref_slice %arg4[%dma_wait3A_35, %dma_wait3A_36] : memref<4096x768xf32, #tpu.memory_space<hbm>> -> memref<64x768xf32, #tpu.memory_space<hbm>>
    %dma_wait3A_38 = arith.constant 0 : i32
    %dma_wait3A_39 = arith.constant 0 : i32
    %dma_wait3A_40 = tpu.memref_slice %arg4[%dma_wait3A_38, %dma_wait3A_39] : memref<4096x768xf32, #tpu.memory_space<hbm>> -> memref<64x768xf32, #tpu.memory_space<hbm>>
    tpu.wait_dma2 semaphore(%arg9 : memref<!tpu.dma_semaphore, #tpu.memory_space<semaphore_mem>>) src(%arg6 : memref<64x768xf32, #tpu.memory_space<vmem>>) dst(%dma_wait3A_40 : memref<64x768xf32, #tpu.memory_space<hbm>>)
    %dma_wait3A_41 = arith.constant 0 : i32
    %dma_wait3A_42 = arith.constant 0 : i32
    %dma_wait3A_43 = tpu.memref_slice %arg4[%dma_wait3A_41, %dma_wait3A_42] : memref<4096x768xf32, #tpu.memory_space<hbm>> -> memref<64x768xf32, #tpu.memory_space<hbm>>
    %dma_wait3A_44 = arith.constant 0 : i32
    %dma_wait3A_45 = arith.constant 0 : i32
    %dma_wait3A_46 = tpu.memref_slice %arg4[%dma_wait3A_44, %dma_wait3A_45] : memref<4096x768xf32, #tpu.memory_space<hbm>> -> memref<64x768xf32, #tpu.memory_space<hbm>>
    tpu.wait_dma2 semaphore(%arg10 : memref<!tpu.dma_semaphore, #tpu.memory_space<semaphore_mem>>) src(%arg7 : memref<64x768xf32, #tpu.memory_space<vmem>>) dst(%dma_wait3A_46 : memref<64x768xf32, #tpu.memory_space<hbm>>)
    return
  }
}

#map = affine_map<(d0, d1) -> (0, 0)>
#map1 = affine_map<(d0, d1) -> (0)>
module attributes {stable_mosaic.version = 14 : i64} {
  func.func @gather_kernel(%arg0: i32, %arg1: i32, %arg2: memref<100000x768xf32, #tpu.memory_space<hbm>>, %arg3: memref<16384xi32, #tpu.memory_space<hbm>>, %arg4: memref<4096x768xf32, #tpu.memory_space<hbm>>, %arg5: memref<128xi32, #tpu.memory_space<vmem>>, %arg6: memref<64x768xf32, #tpu.memory_space<vmem>>, %arg7: memref<64x768xf32, #tpu.memory_space<vmem>>, %arg8: memref<!tpu.dma_semaphore, #tpu.memory_space<semaphore_mem>>, %arg9: memref<!tpu.dma_semaphore, #tpu.memory_space<semaphore_mem>>, %arg10: memref<!tpu.dma_semaphore, #tpu.memory_space<semaphore_mem>>) attributes {dimension_semantics = [#tpu.dimension_semantics<core_parallel>, #tpu.dimension_semantics<subcore_parallel>], iteration_bounds = array<i64: 2, 16>, scalar_prefetch = 0 : i64, scratch_operands = 6 : i64, tpu.core_type = #tpu.core_type<sc_vector_subcore>, window_params = [{transform_indices = #map}, {transform_indices = #map1}, {transform_indices = #map}]} {
    %mul3A = arith.constant 2 : i32
    %mul3A_0 = arith.muli %arg1, %mul3A : i32
    %add3A = arith.addi %mul3A_0, %arg0 : i32
    %mul3A_1 = arith.constant 128 : i32
    %mul3A_2 = arith.muli %add3A, %mul3A_1 : i32
    %add3A_3 = arith.constant 12288 : i32
    %add3A_4 = arith.addi %add3A_3, %mul3A_2 : i32
    "tpu.region"() ({
      %run_scoped3A = tpu.sem_alloc : memref<!tpu.dma_semaphore, #tpu.memory_space<semaphore_mem>>
      %dma_start3A_47 = tpu.memref_slice %arg3[%add3A_4] : memref<16384xi32, #tpu.memory_space<hbm>> -> memref<128xi32, #tpu.memory_space<hbm>>
      %dma_start3A_48 = tpu.memref_slice %arg3[%add3A_4] : memref<16384xi32, #tpu.memory_space<hbm>> -> memref<128xi32, #tpu.memory_space<hbm>>
      tpu.enqueue_dma source(%dma_start3A_48 : memref<128xi32, #tpu.memory_space<hbm>>) target(%arg5 : memref<128xi32, #tpu.memory_space<vmem>>) target_semaphore(%run_scoped3A : memref<!tpu.dma_semaphore, #tpu.memory_space<semaphore_mem>>)
      %dma_wait3A_49 = tpu.memref_slice %arg3[%add3A_4] : memref<16384xi32, #tpu.memory_space<hbm>> -> memref<128xi32, #tpu.memory_space<hbm>>
      %dma_wait3A_50 = tpu.memref_slice %arg3[%add3A_4] : memref<16384xi32, #tpu.memory_space<hbm>> -> memref<128xi32, #tpu.memory_space<hbm>>
      tpu.wait_dma2 semaphore(%run_scoped3A : memref<!tpu.dma_semaphore, #tpu.memory_space<semaphore_mem>>) src(%dma_wait3A_50 : memref<128xi32, #tpu.memory_space<hbm>>) dst(%arg5 : memref<128xi32, #tpu.memory_space<vmem>>)
      tpu.yield
    }) : () -> ()
    %dma_start3A = arith.constant 0 : i32
    %dma_start3A_5 = tpu.memref_slice %arg5[%dma_start3A] : memref<128xi32, #tpu.memory_space<vmem>> -> memref<64xi32, #tpu.memory_space<vmem>>
    %dma_start3A_6 = arith.constant 0 : i32
    %dma_start3A_7 = arith.constant 0 : i32
    %dma_start3A_8 = tpu.memref_slice %arg2[%dma_start3A_6, %dma_start3A_7] : memref<100000x768xf32, #tpu.memory_space<hbm>> -> memref<100000x768xf32, #tpu.memory_space<hbm>>
    tpu.enqueue_indirect_dma source(%dma_start3A_8 : memref<100000x768xf32, #tpu.memory_space<hbm>>) target(%arg6 : memref<64x768xf32, #tpu.memory_space<vmem>>) offsets(%dma_start3A_5 : memref<64xi32, #tpu.memory_space<vmem>>) semaphore(%arg8 : memref<!tpu.dma_semaphore, #tpu.memory_space<semaphore_mem>>)
    %dma_wait3A = arith.constant 0 : i32
    %dma_wait3A_9 = tpu.memref_slice %arg5[%dma_wait3A] : memref<128xi32, #tpu.memory_space<vmem>> -> memref<64xi32, #tpu.memory_space<vmem>>
    %dma_wait3A_10 = arith.constant 0 : i32
    %dma_wait3A_11 = arith.constant 0 : i32
    %dma_wait3A_12 = tpu.memref_slice %arg2[%dma_wait3A_10, %dma_wait3A_11] : memref<100000x768xf32, #tpu.memory_space<hbm>> -> memref<100000x768xf32, #tpu.memory_space<hbm>>
    tpu.wait_indirect_dma semaphore(%arg8 : memref<!tpu.dma_semaphore, #tpu.memory_space<semaphore_mem>>) src(%dma_wait3A_12 : memref<100000x768xf32, #tpu.memory_space<hbm>>) dst(%arg6 : memref<64x768xf32, #tpu.memory_space<vmem>>)
    %dma_start3A_13 = arith.constant 64 : i32
    %dma_start3A_14 = tpu.memref_slice %arg5[%dma_start3A_13] : memref<128xi32, #tpu.memory_space<vmem>> -> memref<64xi32, #tpu.memory_space<vmem>>
    %dma_start3A_15 = arith.constant 0 : i32
    %dma_start3A_16 = arith.constant 0 : i32
    %dma_start3A_17 = tpu.memref_slice %arg2[%dma_start3A_15, %dma_start3A_16] : memref<100000x768xf32, #tpu.memory_space<hbm>> -> memref<100000x768xf32, #tpu.memory_space<hbm>>
    tpu.enqueue_indirect_dma source(%dma_start3A_17 : memref<100000x768xf32, #tpu.memory_space<hbm>>) target(%arg7 : memref<64x768xf32, #tpu.memory_space<vmem>>) offsets(%dma_start3A_14 : memref<64xi32, #tpu.memory_space<vmem>>) semaphore(%arg8 : memref<!tpu.dma_semaphore, #tpu.memory_space<semaphore_mem>>)
    %add3A_18 = arith.constant 0 : i32
    %add3A_19 = arith.addi %mul3A_2, %add3A_18 : i32
    %dma_start3A_20 = arith.constant 0 : i32
    %dma_start3A_21 = tpu.memref_slice %arg4[%add3A_19, %dma_start3A_20] : memref<4096x768xf32, #tpu.memory_space<hbm>> -> memref<64x768xf32, #tpu.memory_space<hbm>>
    %dma_start3A_22 = arith.constant 0 : i32
    %dma_start3A_23 = tpu.memref_slice %arg4[%add3A_19, %dma_start3A_22] : memref<4096x768xf32, #tpu.memory_space<hbm>> -> memref<64x768xf32, #tpu.memory_space<hbm>>
    tpu.enqueue_dma source(%arg6 : memref<64x768xf32, #tpu.memory_space<vmem>>) target(%dma_start3A_23 : memref<64x768xf32, #tpu.memory_space<hbm>>) target_semaphore(%arg9 : memref<!tpu.dma_semaphore, #tpu.memory_space<semaphore_mem>>)
    %dma_wait3A_24 = arith.constant 64 : i32
    %dma_wait3A_25 = tpu.memref_slice %arg5[%dma_wait3A_24] : memref<128xi32, #tpu.memory_space<vmem>> -> memref<64xi32, #tpu.memory_space<vmem>>
    %dma_wait3A_26 = arith.constant 0 : i32
    %dma_wait3A_27 = arith.constant 0 : i32
    %dma_wait3A_28 = tpu.memref_slice %arg2[%dma_wait3A_26, %dma_wait3A_27] : memref<100000x768xf32, #tpu.memory_space<hbm>> -> memref<100000x768xf32, #tpu.memory_space<hbm>>
    tpu.wait_indirect_dma semaphore(%arg8 : memref<!tpu.dma_semaphore, #tpu.memory_space<semaphore_mem>>) src(%dma_wait3A_28 : memref<100000x768xf32, #tpu.memory_space<hbm>>) dst(%arg7 : memref<64x768xf32, #tpu.memory_space<vmem>>)
    %add3A_29 = arith.constant 64 : i32
    %add3A_30 = arith.addi %mul3A_2, %add3A_29 : i32
    %dma_start3A_31 = arith.constant 0 : i32
    %dma_start3A_32 = tpu.memref_slice %arg4[%add3A_30, %dma_start3A_31] : memref<4096x768xf32, #tpu.memory_space<hbm>> -> memref<64x768xf32, #tpu.memory_space<hbm>>
    %dma_start3A_33 = arith.constant 0 : i32
    %dma_start3A_34 = tpu.memref_slice %arg4[%add3A_30, %dma_start3A_33] : memref<4096x768xf32, #tpu.memory_space<hbm>> -> memref<64x768xf32, #tpu.memory_space<hbm>>
    tpu.enqueue_dma source(%arg7 : memref<64x768xf32, #tpu.memory_space<vmem>>) target(%dma_start3A_34 : memref<64x768xf32, #tpu.memory_space<hbm>>) target_semaphore(%arg10 : memref<!tpu.dma_semaphore, #tpu.memory_space<semaphore_mem>>)
    %dma_wait3A_35 = arith.constant 0 : i32
    %dma_wait3A_36 = arith.constant 0 : i32
    %dma_wait3A_37 = tpu.memref_slice %arg4[%dma_wait3A_35, %dma_wait3A_36] : memref<4096x768xf32, #tpu.memory_space<hbm>> -> memref<64x768xf32, #tpu.memory_space<hbm>>
    %dma_wait3A_38 = arith.constant 0 : i32
    %dma_wait3A_39 = arith.constant 0 : i32
    %dma_wait3A_40 = tpu.memref_slice %arg4[%dma_wait3A_38, %dma_wait3A_39] : memref<4096x768xf32, #tpu.memory_space<hbm>> -> memref<64x768xf32, #tpu.memory_space<hbm>>
    tpu.wait_dma2 semaphore(%arg9 : memref<!tpu.dma_semaphore, #tpu.memory_space<semaphore_mem>>) src(%arg6 : memref<64x768xf32, #tpu.memory_space<vmem>>) dst(%dma_wait3A_40 : memref<64x768xf32, #tpu.memory_space<hbm>>)
    %dma_wait3A_41 = arith.constant 0 : i32
    %dma_wait3A_42 = arith.constant 0 : i32
    %dma_wait3A_43 = tpu.memref_slice %arg4[%dma_wait3A_41, %dma_wait3A_42] : memref<4096x768xf32, #tpu.memory_space<hbm>> -> memref<64x768xf32, #tpu.memory_space<hbm>>
    %dma_wait3A_44 = arith.constant 0 : i32
    %dma_wait3A_45 = arith.constant 0 : i32
    %dma_wait3A_46 = tpu.memref_slice %arg4[%dma_wait3A_44, %dma_wait3A_45] : memref<4096x768xf32, #tpu.memory_space<hbm>> -> memref<64x768xf32, #tpu.memory_space<hbm>>
    tpu.wait_dma2 semaphore(%arg10 : memref<!tpu.dma_semaphore, #tpu.memory_space<semaphore_mem>>) src(%arg7 : memref<64x768xf32, #tpu.memory_space<vmem>>) dst(%dma_wait3A_46 : memref<64x768xf32, #tpu.memory_space<hbm>>)
    return
  }
}

module attributes {stable_mosaic.version = 14 : i64} {
  func.func @_mm_body_alias(%arg0: i32, %arg1: memref<16384x768xf32, #tpu.memory_space<hbm>>, %arg2: memref<2048x768xf32, #tpu.memory_space<vmem>>, %arg3: memref<768x769xf32, #tpu.memory_space<vmem>>, %arg4: memref<2048x1xf32, #tpu.memory_space<vmem>>, %arg5: memref<1x768xf32, #tpu.memory_space<vmem>>, %arg6: memref<1x768xf32, #tpu.memory_space<vmem>>, %arg7: memref<2048x768xf32, #tpu.memory_space<vmem>>) attributes {dimension_semantics = [#tpu.dimension_semantics<arbitrary>], iteration_bounds = array<i64: 2>, scalar_prefetch = 0 : i64, scratch_operands = 0 : i64, tpu.core_type = #tpu.core_type<tc>, window_params = [{}, {transform_indices = @transform_1, window_bounds = array<i64: 2048, 768>}, {pipeline_mode = #tpu.pipeline_mode<synchronous>, transform_indices = @transform_2, window_bounds = array<i64: 768, 769>}, {transform_indices = @transform_3, window_bounds = array<i64: 2048, 1>}, {pipeline_mode = #tpu.pipeline_mode<synchronous>, transform_indices = @transform_4, window_bounds = array<i64: 1, 768>}, {pipeline_mode = #tpu.pipeline_mode<synchronous>, transform_indices = @transform_5, window_bounds = array<i64: 1, 768>}, {transform_indices = @transform_6, window_bounds = array<i64: 2048, 768>}]} {
    %get3A = arith.constant 0 : index
    %get3A_0 = arith.constant 0 : index
    %get3A_1 = vector.load %arg3[%get3A, %get3A_0] : memref<768x769xf32, #tpu.memory_space<vmem>>, vector<768x768xf32>
    %get3A_2 = arith.constant 0 : index
    %get3A_3 = arith.constant 0 : index
    %get3A_4 = vector.load %arg2[%get3A_2, %get3A_3] : memref<2048x768xf32, #tpu.memory_space<vmem>>, vector<2048x768xf32>
    %convert_element_type3A = arith.truncf %get3A_4 : vector<2048x768xf32> to vector<2048x768xbf16>
    %convert_element_type3A_5 = arith.truncf %get3A_1 : vector<768x768xf32> to vector<768x768xbf16>
    %dot_general3A = arith.constant dense<0.000000e+00> : vector<2048x768xf32>
    %dot_general3A_6 = tpu.matmul %convert_element_type3A, %convert_element_type3A_5, %dot_general3A {dimension_numbers = #tpu.dot_dimension_numbers<[1], [1], [0], [0], [0, 0, 1, 0], [], []>, transpose_lhs_hint = false} : vector<2048x768xbf16>, vector<768x768xbf16>, vector<2048x768xf32> -> vector<2048x768xf32>
    %get3A_7 = arith.constant 0 : index
    %get3A_8 = arith.constant 0 : index
    %get3A_9 = vector.load %arg4[%get3A_7, %get3A_8] : memref<2048x1xf32, #tpu.memory_space<vmem>>, vector<2048x1xf32>
    %get3A_10 = arith.constant 0 : index
    %get3A_11 = arith.constant 0 : index
    %get3A_12 = vector.load %arg5[%get3A_10, %get3A_11] : memref<1x768xf32, #tpu.memory_space<vmem>>, vector<1x768xf32>
    %mul3A = vector.broadcast %get3A_9 : vector<2048x1xf32> to vector<2048x768xf32>
    %mul3A_13 = vector.broadcast %get3A_12 : vector<1x768xf32> to vector<2048x768xf32>
    %mul3A_14 = arith.mulf %mul3A, %mul3A_13 : vector<2048x768xf32>
    %add3A = arith.addf %dot_general3A_6, %mul3A_14 : vector<2048x768xf32>
    %get3A_15 = arith.constant 0 : index
    %get3A_16 = arith.constant 0 : index
    %get3A_17 = vector.load %arg6[%get3A_15, %get3A_16] : memref<1x768xf32, #tpu.memory_space<vmem>>, vector<1x768xf32>
    %add3A_18 = vector.broadcast %get3A_17 : vector<1x768xf32> to vector<2048x768xf32>
    %add3A_19 = arith.addf %add3A, %add3A_18 : vector<2048x768xf32>
    %swap3A = arith.constant 0 : index
    %swap3A_20 = arith.constant 0 : index
    %swap3A_21 = vector.load %arg7[%swap3A, %swap3A_20] : memref<2048x768xf32, #tpu.memory_space<vmem>>, vector<2048x768xf32>
    tpu.vector_store %arg7[%swap3A, %swap3A_20], %add3A_19 {strides = array<i32>} : memref<2048x768xf32, #tpu.memory_space<vmem>>, vector<2048x768xf32>,
    return
  }
  func.func @transform_1(%arg0: i32) -> (i32, i32) {
    %c0_i32 = arith.constant 0 : i32
    %c0_i32_0 = arith.constant 0 : i32
    return %arg0, %c0_i32 : i32, i32
  }
  func.func @transform_2(%arg0: i32) -> (i32, i32) {
    %c0_i32 = arith.constant 0 : i32
    %c0_i32_0 = arith.constant 0 : i32
    %c0_i32_1 = arith.constant 0 : i32
    return %c0_i32, %c0_i32_0 : i32, i32
  }
  func.func @transform_3(%arg0: i32) -> (i32, i32) {
    %add3A = arith.constant 2 : i32
    %add3A_0 = arith.addi %add3A, %arg0 : i32
    %c0_i32 = arith.constant 0 : i32
    %c0_i32_1 = arith.constant 0 : i32
    return %add3A_0, %c0_i32 : i32, i32
  }
  func.func @transform_4(%arg0: i32) -> (i32, i32) {
    %c0_i32 = arith.constant 0 : i32
    %c0_i32_0 = arith.constant 0 : i32
    %c0_i32_1 = arith.constant 0 : i32
    return %c0_i32, %c0_i32_0 : i32, i32
  }
  func.func @transform_5(%arg0: i32) -> (i32, i32) {
    %c0_i32 = arith.constant 0 : i32
    %c0_i32_0 = arith.constant 0 : i32
    %c0_i32_1 = arith.constant 0 : i32
    return %c0_i32, %c0_i32_0 : i32, i32
  }
  func.func @transform_6(%arg0: i32) -> (i32, i32) {
    %add3A = arith.constant 2 : i32
    %add3A_0 = arith.addi %add3A, %arg0 : i32
    %c0_i32 = arith.constant 0 : i32
    %c0_i32_1 = arith.constant 0 : i32
    return %add3A_0, %c0_i32 : i32, i32
  }
}

module attributes {stable_mosaic.version = 14 : i64} {
  func.func @_mm_body_first(%arg0: i32, %arg1: memref<2048x768xf32, #tpu.memory_space<vmem>>, %arg2: memref<768x769xf32, #tpu.memory_space<vmem>>, %arg3: memref<2048x1xf32, #tpu.memory_space<vmem>>, %arg4: memref<1x768xf32, #tpu.memory_space<vmem>>, %arg5: memref<1x768xf32, #tpu.memory_space<vmem>>, %arg6: memref<2048x768xf32, #tpu.memory_space<vmem>>) attributes {dimension_semantics = [#tpu.dimension_semantics<arbitrary>], iteration_bounds = array<i64: 2>, scalar_prefetch = 0 : i64, scratch_operands = 0 : i64, tpu.core_type = #tpu.core_type<tc>, window_params = [{transform_indices = @transform_0, window_bounds = array<i64: 2048, 768>}, {pipeline_mode = #tpu.pipeline_mode<synchronous>, transform_indices = @transform_1, window_bounds = array<i64: 768, 769>}, {transform_indices = @transform_2, window_bounds = array<i64: 2048, 1>}, {pipeline_mode = #tpu.pipeline_mode<synchronous>, transform_indices = @transform_3, window_bounds = array<i64: 1, 768>}, {pipeline_mode = #tpu.pipeline_mode<synchronous>, transform_indices = @transform_4, window_bounds = array<i64: 1, 768>}, {transform_indices = @transform_5, window_bounds = array<i64: 2048, 768>}]} {
    %get3A = arith.constant 0 : index
    %get3A_0 = arith.constant 0 : index
    %get3A_1 = vector.load %arg2[%get3A, %get3A_0] : memref<768x769xf32, #tpu.memory_space<vmem>>, vector<768x768xf32>
    %get3A_2 = arith.constant 0 : index
    %get3A_3 = arith.constant 0 : index
    %get3A_4 = vector.load %arg1[%get3A_2, %get3A_3] : memref<2048x768xf32, #tpu.memory_space<vmem>>, vector<2048x768xf32>
    %convert_element_type3A = arith.truncf %get3A_4 : vector<2048x768xf32> to vector<2048x768xbf16>
    %convert_element_type3A_5 = arith.truncf %get3A_1 : vector<768x768xf32> to vector<768x768xbf16>
    %dot_general3A = arith.constant dense<0.000000e+00> : vector<2048x768xf32>
    %dot_general3A_6 = tpu.matmul %convert_element_type3A, %convert_element_type3A_5, %dot_general3A {dimension_numbers = #tpu.dot_dimension_numbers<[1], [1], [0], [0], [0, 0, 1, 0], [], []>, transpose_lhs_hint = false} : vector<2048x768xbf16>, vector<768x768xbf16>, vector<2048x768xf32> -> vector<2048x768xf32>
    %get3A_7 = arith.constant 0 : index
    %get3A_8 = arith.constant 0 : index
    %get3A_9 = vector.load %arg3[%get3A_7, %get3A_8] : memref<2048x1xf32, #tpu.memory_space<vmem>>, vector<2048x1xf32>
    %get3A_10 = arith.constant 0 : index
    %get3A_11 = arith.constant 0 : index
    %get3A_12 = vector.load %arg4[%get3A_10, %get3A_11] : memref<1x768xf32, #tpu.memory_space<vmem>>, vector<1x768xf32>
    %mul3A = vector.broadcast %get3A_9 : vector<2048x1xf32> to vector<2048x768xf32>
    %mul3A_13 = vector.broadcast %get3A_12 : vector<1x768xf32> to vector<2048x768xf32>
    %mul3A_14 = arith.mulf %mul3A, %mul3A_13 : vector<2048x768xf32>
    %add3A = arith.addf %dot_general3A_6, %mul3A_14 : vector<2048x768xf32>
    %get3A_15 = arith.constant 0 : index
    %get3A_16 = arith.constant 0 : index
    %get3A_17 = vector.load %arg5[%get3A_15, %get3A_16] : memref<1x768xf32, #tpu.memory_space<vmem>>, vector<1x768xf32>
    %add3A_18 = vector.broadcast %get3A_17 : vector<1x768xf32> to vector<2048x768xf32>
    %add3A_19 = arith.addf %add3A, %add3A_18 : vector<2048x768xf32>
    %swap3A = arith.constant 0 : index
    %swap3A_20 = arith.constant 0 : index
    %swap3A_21 = vector.load %arg6[%swap3A, %swap3A_20] : memref<2048x768xf32, #tpu.memory_space<vmem>>, vector<2048x768xf32>
    tpu.vector_store %arg6[%swap3A, %swap3A_20], %add3A_19 {strides = array<i32>} : memref<2048x768xf32, #tpu.memory_space<vmem>>, vector<2048x768xf32>,
    return
  }
  func.func @transform_0(%arg0: i32) -> (i32, i32) {
    %c0_i32 = arith.constant 0 : i32
    %c0_i32_0 = arith.constant 0 : i32
    return %arg0, %c0_i32 : i32, i32
  }
  func.func @transform_1(%arg0: i32) -> (i32, i32) {
    %c0_i32 = arith.constant 0 : i32
    %c0_i32_0 = arith.constant 0 : i32
    %c0_i32_1 = arith.constant 0 : i32
    return %c0_i32, %c0_i32_0 : i32, i32
  }
  func.func @transform_2(%arg0: i32) -> (i32, i32) {
    %add3A = arith.constant 0 : i32
    %add3A_0 = arith.addi %add3A, %arg0 : i32
    %c0_i32 = arith.constant 0 : i32
    %c0_i32_1 = arith.constant 0 : i32
    return %add3A_0, %c0_i32 : i32, i32
  }
  func.func @transform_3(%arg0: i32) -> (i32, i32) {
    %c0_i32 = arith.constant 0 : i32
    %c0_i32_0 = arith.constant 0 : i32
    %c0_i32_1 = arith.constant 0 : i32
    return %c0_i32, %c0_i32_0 : i32, i32
  }
  func.func @transform_4(%arg0: i32) -> (i32, i32) {
    %c0_i32 = arith.constant 0 : i32
    %c0_i32_0 = arith.constant 0 : i32
    %c0_i32_1 = arith.constant 0 : i32
    return %c0_i32, %c0_i32_0 : i32, i32
  }
  func.func @transform_5(%arg0: i32) -> (i32, i32) {
    %add3A = arith.constant 0 : i32
    %add3A_0 = arith.addi %add3A, %arg0 : i32
    %c0_i32 = arith.constant 0 : i32
    %c0_i32_1 = arith.constant 0 : i32
    return %add3A_0, %c0_i32 : i32, i32
  }
}

module attributes {stable_mosaic.version = 14 : i64} {
  func.func @_mm_body_alias(%arg0: i32, %arg1: memref<16384x768xf32, #tpu.memory_space<hbm>>, %arg2: memref<2048x768xf32, #tpu.memory_space<vmem>>, %arg3: memref<768x769xf32, #tpu.memory_space<vmem>>, %arg4: memref<2048x1xf32, #tpu.memory_space<vmem>>, %arg5: memref<1x768xf32, #tpu.memory_space<vmem>>, %arg6: memref<1x768xf32, #tpu.memory_space<vmem>>, %arg7: memref<2048x768xf32, #tpu.memory_space<vmem>>) attributes {dimension_semantics = [#tpu.dimension_semantics<arbitrary>], iteration_bounds = array<i64: 2>, scalar_prefetch = 0 : i64, scratch_operands = 0 : i64, tpu.core_type = #tpu.core_type<tc>, window_params = [{}, {transform_indices = @transform_1, window_bounds = array<i64: 2048, 768>}, {pipeline_mode = #tpu.pipeline_mode<synchronous>, transform_indices = @transform_2, window_bounds = array<i64: 768, 769>}, {transform_indices = @transform_3, window_bounds = array<i64: 2048, 1>}, {pipeline_mode = #tpu.pipeline_mode<synchronous>, transform_indices = @transform_4, window_bounds = array<i64: 1, 768>}, {pipeline_mode = #tpu.pipeline_mode<synchronous>, transform_indices = @transform_5, window_bounds = array<i64: 1, 768>}, {transform_indices = @transform_6, window_bounds = array<i64: 2048, 768>}]} {
    %get3A = arith.constant 0 : index
    %get3A_0 = arith.constant 0 : index
    %get3A_1 = vector.load %arg3[%get3A, %get3A_0] : memref<768x769xf32, #tpu.memory_space<vmem>>, vector<768x768xf32>
    %get3A_2 = arith.constant 0 : index
    %get3A_3 = arith.constant 0 : index
    %get3A_4 = vector.load %arg2[%get3A_2, %get3A_3] : memref<2048x768xf32, #tpu.memory_space<vmem>>, vector<2048x768xf32>
    %convert_element_type3A = arith.truncf %get3A_4 : vector<2048x768xf32> to vector<2048x768xbf16>
    %convert_element_type3A_5 = arith.truncf %get3A_1 : vector<768x768xf32> to vector<768x768xbf16>
    %dot_general3A = arith.constant dense<0.000000e+00> : vector<2048x768xf32>
    %dot_general3A_6 = tpu.matmul %convert_element_type3A, %convert_element_type3A_5, %dot_general3A {dimension_numbers = #tpu.dot_dimension_numbers<[1], [1], [0], [0], [0, 0, 1, 0], [], []>, transpose_lhs_hint = false} : vector<2048x768xbf16>, vector<768x768xbf16>, vector<2048x768xf32> -> vector<2048x768xf32>
    %get3A_7 = arith.constant 0 : index
    %get3A_8 = arith.constant 0 : index
    %get3A_9 = vector.load %arg4[%get3A_7, %get3A_8] : memref<2048x1xf32, #tpu.memory_space<vmem>>, vector<2048x1xf32>
    %get3A_10 = arith.constant 0 : index
    %get3A_11 = arith.constant 0 : index
    %get3A_12 = vector.load %arg5[%get3A_10, %get3A_11] : memref<1x768xf32, #tpu.memory_space<vmem>>, vector<1x768xf32>
    %mul3A = vector.broadcast %get3A_9 : vector<2048x1xf32> to vector<2048x768xf32>
    %mul3A_13 = vector.broadcast %get3A_12 : vector<1x768xf32> to vector<2048x768xf32>
    %mul3A_14 = arith.mulf %mul3A, %mul3A_13 : vector<2048x768xf32>
    %add3A = arith.addf %dot_general3A_6, %mul3A_14 : vector<2048x768xf32>
    %get3A_15 = arith.constant 0 : index
    %get3A_16 = arith.constant 0 : index
    %get3A_17 = vector.load %arg6[%get3A_15, %get3A_16] : memref<1x768xf32, #tpu.memory_space<vmem>>, vector<1x768xf32>
    %add3A_18 = vector.broadcast %get3A_17 : vector<1x768xf32> to vector<2048x768xf32>
    %add3A_19 = arith.addf %add3A, %add3A_18 : vector<2048x768xf32>
    %swap3A = arith.constant 0 : index
    %swap3A_20 = arith.constant 0 : index
    %swap3A_21 = vector.load %arg7[%swap3A, %swap3A_20] : memref<2048x768xf32, #tpu.memory_space<vmem>>, vector<2048x768xf32>
    tpu.vector_store %arg7[%swap3A, %swap3A_20], %add3A_19 {strides = array<i32>} : memref<2048x768xf32, #tpu.memory_space<vmem>>, vector<2048x768xf32>,
    return
  }
  func.func @transform_1(%arg0: i32) -> (i32, i32) {
    %c0_i32 = arith.constant 0 : i32
    %c0_i32_0 = arith.constant 0 : i32
    return %arg0, %c0_i32 : i32, i32
  }
  func.func @transform_2(%arg0: i32) -> (i32, i32) {
    %c0_i32 = arith.constant 0 : i32
    %c0_i32_0 = arith.constant 0 : i32
    %c0_i32_1 = arith.constant 0 : i32
    return %c0_i32, %c0_i32_0 : i32, i32
  }
  func.func @transform_3(%arg0: i32) -> (i32, i32) {
    %add3A = arith.constant 4 : i32
    %add3A_0 = arith.addi %add3A, %arg0 : i32
    %c0_i32 = arith.constant 0 : i32
    %c0_i32_1 = arith.constant 0 : i32
    return %add3A_0, %c0_i32 : i32, i32
  }
  func.func @transform_4(%arg0: i32) -> (i32, i32) {
    %c0_i32 = arith.constant 0 : i32
    %c0_i32_0 = arith.constant 0 : i32
    %c0_i32_1 = arith.constant 0 : i32
    return %c0_i32, %c0_i32_0 : i32, i32
  }
  func.func @transform_5(%arg0: i32) -> (i32, i32) {
    %c0_i32 = arith.constant 0 : i32
    %c0_i32_0 = arith.constant 0 : i32
    %c0_i32_1 = arith.constant 0 : i32
    return %c0_i32, %c0_i32_0 : i32, i32
  }
  func.func @transform_6(%arg0: i32) -> (i32, i32) {
    %add3A = arith.constant 4 : i32
    %add3A_0 = arith.addi %add3A, %arg0 : i32
    %c0_i32 = arith.constant 0 : i32
    %c0_i32_1 = arith.constant 0 : i32
    return %add3A_0, %c0_i32 : i32, i32
  }
}

module attributes {stable_mosaic.version = 14 : i64} {
  func.func @_mm_body_alias(%arg0: i32, %arg1: memref<16384x768xf32, #tpu.memory_space<hbm>>, %arg2: memref<2048x768xf32, #tpu.memory_space<vmem>>, %arg3: memref<768x769xf32, #tpu.memory_space<vmem>>, %arg4: memref<2048x1xf32, #tpu.memory_space<vmem>>, %arg5: memref<1x768xf32, #tpu.memory_space<vmem>>, %arg6: memref<1x768xf32, #tpu.memory_space<vmem>>, %arg7: memref<2048x768xf32, #tpu.memory_space<vmem>>) attributes {dimension_semantics = [#tpu.dimension_semantics<arbitrary>], iteration_bounds = array<i64: 2>, scalar_prefetch = 0 : i64, scratch_operands = 0 : i64, tpu.core_type = #tpu.core_type<tc>, window_params = [{}, {transform_indices = @transform_1, window_bounds = array<i64: 2048, 768>}, {pipeline_mode = #tpu.pipeline_mode<synchronous>, transform_indices = @transform_2, window_bounds = array<i64: 768, 769>}, {transform_indices = @transform_3, window_bounds = array<i64: 2048, 1>}, {pipeline_mode = #tpu.pipeline_mode<synchronous>, transform_indices = @transform_4, window_bounds = array<i64: 1, 768>}, {pipeline_mode = #tpu.pipeline_mode<synchronous>, transform_indices = @transform_5, window_bounds = array<i64: 1, 768>}, {transform_indices = @transform_6, window_bounds = array<i64: 2048, 768>}]} {
    %get3A = arith.constant 0 : index
    %get3A_0 = arith.constant 0 : index
    %get3A_1 = vector.load %arg3[%get3A, %get3A_0] : memref<768x769xf32, #tpu.memory_space<vmem>>, vector<768x768xf32>
    %get3A_2 = arith.constant 0 : index
    %get3A_3 = arith.constant 0 : index
    %get3A_4 = vector.load %arg2[%get3A_2, %get3A_3] : memref<2048x768xf32, #tpu.memory_space<vmem>>, vector<2048x768xf32>
    %convert_element_type3A = arith.truncf %get3A_4 : vector<2048x768xf32> to vector<2048x768xbf16>
    %convert_element_type3A_5 = arith.truncf %get3A_1 : vector<768x768xf32> to vector<768x768xbf16>
    %dot_general3A = arith.constant dense<0.000000e+00> : vector<2048x768xf32>
    %dot_general3A_6 = tpu.matmul %convert_element_type3A, %convert_element_type3A_5, %dot_general3A {dimension_numbers = #tpu.dot_dimension_numbers<[1], [1], [0], [0], [0, 0, 1, 0], [], []>, transpose_lhs_hint = false} : vector<2048x768xbf16>, vector<768x768xbf16>, vector<2048x768xf32> -> vector<2048x768xf32>
    %get3A_7 = arith.constant 0 : index
    %get3A_8 = arith.constant 0 : index
    %get3A_9 = vector.load %arg4[%get3A_7, %get3A_8] : memref<2048x1xf32, #tpu.memory_space<vmem>>, vector<2048x1xf32>
    %get3A_10 = arith.constant 0 : index
    %get3A_11 = arith.constant 0 : index
    %get3A_12 = vector.load %arg5[%get3A_10, %get3A_11] : memref<1x768xf32, #tpu.memory_space<vmem>>, vector<1x768xf32>
    %mul3A = vector.broadcast %get3A_9 : vector<2048x1xf32> to vector<2048x768xf32>
    %mul3A_13 = vector.broadcast %get3A_12 : vector<1x768xf32> to vector<2048x768xf32>
    %mul3A_14 = arith.mulf %mul3A, %mul3A_13 : vector<2048x768xf32>
    %add3A = arith.addf %dot_general3A_6, %mul3A_14 : vector<2048x768xf32>
    %get3A_15 = arith.constant 0 : index
    %get3A_16 = arith.constant 0 : index
    %get3A_17 = vector.load %arg6[%get3A_15, %get3A_16] : memref<1x768xf32, #tpu.memory_space<vmem>>, vector<1x768xf32>
    %add3A_18 = vector.broadcast %get3A_17 : vector<1x768xf32> to vector<2048x768xf32>
    %add3A_19 = arith.addf %add3A, %add3A_18 : vector<2048x768xf32>
    %swap3A = arith.constant 0 : index
    %swap3A_20 = arith.constant 0 : index
    %swap3A_21 = vector.load %arg7[%swap3A, %swap3A_20] : memref<2048x768xf32, #tpu.memory_space<vmem>>, vector<2048x768xf32>
    tpu.vector_store %arg7[%swap3A, %swap3A_20], %add3A_19 {strides = array<i32>} : memref<2048x768xf32, #tpu.memory_space<vmem>>, vector<2048x768xf32>,
    return
  }
  func.func @transform_1(%arg0: i32) -> (i32, i32) {
    %c0_i32 = arith.constant 0 : i32
    %c0_i32_0 = arith.constant 0 : i32
    return %arg0, %c0_i32 : i32, i32
  }
  func.func @transform_2(%arg0: i32) -> (i32, i32) {
    %c0_i32 = arith.constant 0 : i32
    %c0_i32_0 = arith.constant 0 : i32
    %c0_i32_1 = arith.constant 0 : i32
    return %c0_i32, %c0_i32_0 : i32, i32
  }
  func.func @transform_3(%arg0: i32) -> (i32, i32) {
    %add3A = arith.constant 6 : i32
    %add3A_0 = arith.addi %add3A, %arg0 : i32
    %c0_i32 = arith.constant 0 : i32
    %c0_i32_1 = arith.constant 0 : i32
    return %add3A_0, %c0_i32 : i32, i32
  }
  func.func @transform_4(%arg0: i32) -> (i32, i32) {
    %c0_i32 = arith.constant 0 : i32
    %c0_i32_0 = arith.constant 0 : i32
    %c0_i32_1 = arith.constant 0 : i32
    return %c0_i32, %c0_i32_0 : i32, i32
  }
  func.func @transform_5(%arg0: i32) -> (i32, i32) {
    %c0_i32 = arith.constant 0 : i32
    %c0_i32_0 = arith.constant 0 : i32
    %c0_i32_1 = arith.constant 0 : i32
    return %c0_i32, %c0_i32_0 : i32, i32
  }
  func.func @transform_6(%arg0: i32) -> (i32, i32) {
    %add3A = arith.constant 6 : i32
    %add3A_0 = arith.addi %add3A, %arg0 : i32
    %c0_i32 = arith.constant 0 : i32
    %c0_i32_1 = arith.constant 0 : i32
    return %add3A_0, %c0_i32 : i32, i32
  }
}

</mosaic_0001>

<sc_bundles>
// kernel: kernel.10.cloned.1.call-start
scs
__scs_entry_jumppad:
0x0: {  	(pc) =	sbr.rel $0x88, $3  }
0x1: {  	(tag) =	ssettag $0x0;
	lr =	simm.s32 $0x1  }
0x2: {  	[smem:$0x3F9C] =	sst lr;
	_ =	strace $0xD0000000  }
0x3: {  	_ = 	snop  }
0x4: {  	_ = 	snop  }
0x5: {  	_ = 	snop  }
0x6: {  	_ = 	snop  }
0x7: {  	_ = 	snop  }
__scs_overlays_trampoline_lowered:
0x8: {  	[smem:$0x3FAB] =	sst s0  }
0x9: {  	[smem:$0x3FAC] =	sst s1  }
0xa: {  	[smem:$0x3FAD] =	sst s2  }
0xb: {  	[smem:$0x3FAE] =	sst s3  }
0xc: {  	[smem:$0x3FAF] =	sst s4  }
0xd: {  	[smem:$0x3FB0] =	sst s5  }
0xe: {  	[smem:$0x3FB1] =	sst s6  }
0xf: {  	[smem:$0x3FB2] =	sst s7  }
0x10: {  	[smem:$0x3FB3] =	sst s8  }
0x11: {  	[smem:$0x3FB4] =	sst s9;
	s0 =	simm.s32 @!p0 $0x0  }
0x12: {  	s1 =	sld [smem:$0x3F9A];
	s0 =	simm.s32 @p0 $0x1  }
0x13: {  	[smem:$0x3FB5] =	sst s0;
	s0 =	simm.s32 @!p1 $0x0  }
0x14: {  	s2 =	sld [smem:$0x3F99];
	s0 =	simm.s32 @p1 $0x1  }
0x15: {  	[smem:$0x3FB6] =	sst s0;
	s0 =	simm.s32 @!p2 $0x0  }
0x16: {  	s3 =	sld [smem:$0x3FDB];
	s0 =	simm.s32 @p2 $0x1  }
0x17: {  	s4 =	simm.s32 $0x1BF5;
	[smem:$0x3FB8] =	sst s0  }
0x18: {  	s0 =	sld [smem:$0x3F9B];
	_ =	swait.ge [sflag:s4], $0x0  }
0x19: {  	s7 =	sld [smem:$0x3F9C]  }
0x1a: {  	s8 =	sadd.s32 $0xFFFFE003, lr  }
0x1b: {  	s9 =	sadd.s32 $0xFFFFFEF7, lr;
	s5 =	simm.s32 $0xFFFFFFFF;
	p2 =	slt.u32 s8, $0xFFFFF086  }
0x1c: {  	p1 =	slt.u32 s9, $0xF7A;
	s5 =	simm.s32 @!p2 $0x0  }
0x1d: {  	s5 =	simm.s32 @p1 $0x1;
	p0 =	seq.s32 s7, s2  }
0x1e: {  	s7 =	smul.u32 @!p0 $0xF7A, s2;
	p2 =	seq.s32 @!p0 s5, $0x0  }
0x1f: {  	s9 =	smul.u32 $0xF7A, s1;
	s8 =	simm.s32 @!p0 $0x1BF5;
	p2 =	por !p2, p0  }
0x20: {  	[sflag:s8] =	ssyncset.s32 @!p0 $0xFFFFF086;
	s6 =	sadd.s32 @!p0 s3, s7;
	s7 =	simm.s32 @!p0 $0x108  }
0x21: {  	s3 =	sadd.s32 s3, s9;
	s6 =	sadd.s32 @!p0 $0x88, s6;
	s7 =	simm.s32 @p2 $0x1082  }
0x22: {  	[simem:s7], [sflag:s8] =	dma.local @!p0 [hbm:s6], $0xF7A  }
0x23: {  	s9 =	sor.u32 $0xD0000000, s2;
	s6 =	simm.s32 $0x108;
	_ =	swait.ge @!p0 [sflag:s8], $0x0  }
0x24: {  	s3 =	sadd.s32 $0x88, s3;
	s6 =	simm.s32 @!p1 $0x1082;
	[sflag:s4] =	ssyncset.s32 $0xFFFFF086  }
0x25: {  	[simem:s6], [sflag:s4] =	dma.local [hbm:s3], $0xF7A  }
0x26: {  	[smem:$0x3F9C] =	sst s1;
	(tag) =	ssettag s2;
	_ =	strace s9  }
0x27: {  	s1 =	sld [smem:$0x3FAC]  }
0x28: {  	s2 =	sld [smem:$0x3FAD]  }
0x29: {  	s4 =	sld [smem:$0x3FAF]  }
0x2a: {  	p0 =	seq.s32 s5, $0x0;
	s5 =	sld [smem:$0x3FB0]  }
0x2b: {  	s6 =	sld [smem:$0x3FB1]  }
0x2c: {  	s7 =	sld [smem:$0x3FB2]  }
0x2d: {  	s3 =	simm.s32 $0x108;
	s8 =	sld [smem:$0x3FB3]  }
0x2e: {  	s3 =	simm.s32 @!p0 $0x1082;
	s9 =	sld [smem:$0x3FB4]  }
0x2f: {  	lr =	sadd.s32 s0, s3;
	s0 =	sld [smem:$0x3FAB]  }
0x30: {  	s3 =	sld [smem:$0x3FAE]  }
0x31: {  	[smem:$0x3FB7] =	sst s10  }
0x32: {  	s10 =	sld [smem:$0x3FB5];
	_ =	sdelay $0x3  }
0x33: {  	p0 =	seq.s32 s10, $0x1;
	s10 =	sld [smem:$0x3FB7];
	_ =	sdelay $0x3  }
0x34: {  	[smem:$0x3FB7] =	sst s10  }
0x35: {  	s10 =	sld [smem:$0x3FB6];
	_ =	sdelay $0x3  }
0x36: {  	p1 =	seq.s32 s10, $0x1;
	s10 =	sld [smem:$0x3FB7];
	_ =	sdelay $0x3  }
0x37: {  	[smem:$0x3FB7] =	sst s10  }
0x38: {  	s10 =	sld [smem:$0x3FB8]  }
0x39: {  	_ = 	snop;
	(pc) =	sbr.ind lr, $3  }
0x3a: {  	_ = 	snop  }
0x3b: {  	_ = 	snop  }
0x3c: {  	p2 =	seq.s32 s10, $0x1;
	s10 =	sld [smem:$0x3FB7]  }
0x3d: {  	_ =	shalt  }
0x3e: {  	_ =	shalt  }
0x3f: {  	_ =	shalt  }
0x40: {  	_ =	shalt  }
0x41: {  	_ =	shalt  }
0x42: {  	_ =	shalt  }
0x43: {  	_ =	shalt  }
0x44: {  	_ =	shalt  }
0x45: {  	_ =	shalt  }
0x46: {  	_ =	shalt  }
0x47: {  	_ =	shalt  }
0x48: {  	_ =	shalt  }
0x49: {  	_ =	shalt  }
0x4a: {  	_ =	shalt  }
0x4b: {  	_ =	shalt  }
0x4c: {  	_ =	shalt  }
0x4d: {  	_ =	shalt  }
0x4e: {  	_ =	shalt  }
0x4f: {  	_ =	shalt  }
0x50: {  	_ =	shalt  }
0x51: {  	_ =	shalt  }
0x52: {  	_ =	shalt  }
0x53: {  	_ =	shalt  }
0x54: {  	_ =	shalt  }
0x55: {  	_ =	shalt  }
0x56: {  	_ =	shalt  }
0x57: {  	_ =	shalt  }
0x58: {  	_ =	shalt  }
0x59: {  	_ =	shalt  }
0x5a: {  	_ =	shalt  }
0x5b: {  	_ =	shalt  }
0x5c: {  	_ =	shalt  }
0x5d: {  	_ =	shalt  }
0x5e: {  	_ =	shalt  }
0x5f: {  	_ =	shalt  }
0x60: {  	_ =	shalt  }
0x61: {  	_ =	shalt  }
0x62: {  	_ =	shalt  }
0x63: {  	_ =	shalt  }
0x64: {  	_ =	shalt  }
0x65: {  	_ =	shalt  }
0x66: {  	_ =	shalt  }
0x67: {  	_ =	shalt  }
0x68: {  	_ =	shalt  }
0x69: {  	_ =	shalt  }
0x6a: {  	_ =	shalt  }
0x6b: {  	_ =	shalt  }
0x6c: {  	_ =	shalt  }
0x6d: {  	_ =	shalt  }
0x6e: {  	_ =	shalt  }
0x6f: {  	_ =	shalt  }
0x70: {  	_ =	shalt  }
0x71: {  	_ =	shalt  }
0x72: {  	_ =	shalt  }
0x73: {  	_ =	shalt  }
0x74: {  	_ =	shalt  }
0x75: {  	_ =	shalt  }
0x76: {  	_ =	shalt  }
0x77: {  	_ =	shalt  }
0x78: {  	_ =	shalt  }
0x79: {  	_ =	shalt  }
0x7a: {  	_ =	shalt  }
0x7b: {  	_ =	shalt  }
0x7c: {  	_ =	shalt  }
0x7d: {  	_ =	shalt  }
0x7e: {  	_ =	shalt  }
0x7f: {  	_ =	shalt  }
0x80: {  	_ =	shalt  }
0x81: {  	_ =	shalt  }
0x82: {  	_ =	shalt  }
0x83: {  	_ =	shalt  }
0x84: {  	_ =	shalt  }
0x85: {  	_ =	shalt  }
0x86: {  	_ =	shalt  }
0x87: {  	_ =	shalt  }
.Lfunc_end0:
.L_simem_size_0:
called_computation_lowered:
.L_overlay_start_0:
0x88: {  	s2 =	sld [smem:$0x3FD9]  }
0x89: {  	s3 =	sld [smem:$0x3FFE];
	_ =	sdelay $0x1  }
0x8a: {  	s1 =	srdreg.scid  }
0x8b: {  	s0 =	sand.u32 $0x1, s1  }
0x8c: {  	s17 =	sshll.u32 s0, $0xA;
	s2 =	sadd.s32 s3, s2  }
0x8d: {  	s2 =	sadd.s32 s2, s17  }
0x8e: {  	[smem:$0x3FC3] =	sst s2  }
0x8f: {  	_ = 	snop  }
0x90: {  	s2 =	sld [smem:$0x3FC9]  }
0x91: {  	s18 =	sld [smem:$0x3FC7];
	(tm) =	ssettm $0x1  }
0x92: {  	s4 =	sld [smem:$0x3FFB];
	_ =	sdelay $0x3  }
0x93: {  	_ =	strace s4  }
0x94: {  	s4 =	sld [smem:$0x3FFC];
	_ =	sdelay $0x3  }
0x95: {  	_ =	strace s4  }
0x96: {  	s4 =	sld [smem:$0x3FFD];
	_ =	sdelay $0x3  }
0x97: {  	_ =	strace s4  }
0x98: {  	_ =	strace $0x8FFFFFFF  }
0x99: {  	s19 =	sld [smem:$0x3FDB];
	_ =	sdelay $0x1  }
0x9a: {  	s5 =	simm.s32 $_scs_section_size  }
0x9b: {  	s6 =	simm.s32 $_size__tile_overlayer_lowered;
	s7 =	simm.s32 $_tile_overlayer_lowered  }
0x9c: {  	s22 =	simm.s32 $0x1BFF;
	s21 =	sshll.u32 s7, $0x1;
	s4 =	sadd.s32 s5, s19  }
0x9d: {  	s8 =	simm.s32 $0x0;
	s20 =	sshll.u32 s6, $0x1;
	s6 =	sadd.s32 s21, s4  }
0x9e: {  	[timem:s8], [sflag:s22] =	dma.local [hbm:s6], s20  }
0x9f: {  	_ =	swait.ge [sflag:s22], s20  }
0xa0: {  	s5 =	ssub.s32 $0x0, s20;
	[sflag:s22] =	ssyncset.done $0x0  }
0xa1: {  	[sflag:s22] =	ssyncadd.s32 s5;
	_ =	sdelay $0x1  }
0xa2: {  	s23 =	simm.s32 $0x1B8B  }
0xa3: {  	_ =	swait.ge [sflag:s23], $0x1  }
0xa4: {  	[sflag:s23] =	ssyncset.done $0x0  }
0xa5: {  	s25 =	simm.s32 $0x1B8E;
	s24 =	sld [smem:$0x3FFE];
	[sflag:s23] =	ssyncadd.s32 $0xFFFFFFFF  }
0xa6: {  	s26 =	simm.s32 $execute0_lowered;
	[smem:$0x3FD2] =	sst s25  }
0xa7: {  	s6 =	sshll.u32 s26, $0x1;
	_ =	strace $0x80000046;
	[dreg:$0x1] =	wrdreg $0xFFFFFFFF  }
0xa8: {  	s28 =	simm.s32 $_size_execute0_lowered;
	s4 =	sadd.s32 s4, s6;
	[dreg:$0x0] =	wrdreg $0x0  }
0xa9: {  	s6 =	sshll.u32 s28, $0x1;
	[dreg:$0x2] =	wrdreg s4  }
0xaa: {  	[dreg:$0x3] =	wrdreg s6  }
0xab: {  	[dreg:$0x4] =	wrdreg $0xC0  }
0xac: {  	_ =	task [dreg:s8], $0x5FFFF  }
0xad: {  	[dreg:$0x1] =	wrdreg $0xFFFFFFFF  }
0xae: {  	[dreg:$0x0] =	wrdreg $0x60  }
0xaf: {  	[dreg:$0x2] =	wrdreg s18  }
0xb0: {  	[dreg:$0x3] =	wrdreg s2  }
0xb1: {  	[dreg:$0x4] =	wrdreg s24  }
0xb2: {  	[dreg:$0x5] =	wrdreg $0x9  }
0xb3: {  	_ =	task.clear_ibuf [dreg:s8], $0x6FFFF;
	_ =	strace $0x90000046  }
0xb4: {  	s29 =	simm.s32 $0x9;
	_ =	strace $0x80000048  }
0xb5: {  	_ =	swait.ge [sflag:s29], $0x1  }
0xb6: {  	[sflag:s29] =	ssyncadd.s32 $0xFFFFFFFF  }
0xb7: {  	_ =	strace $0x90000048  }
0xb8: {  	_ =	sfence  }
0xb9: {  	s30 =	sld [smem:$0x0];
	_ =	sdelay $0x2  }
0xba: {  	s31 =	sshll.u32 s1, $0xD;
	s1 =	sshrl.u32 s1, $0x2  }
0xbb: {  	s3 =	sand.u32 $0x4000, s31;
	s1 =	sadd.s32 s1, s30  }
0xbc: {  	s0 =	sor.u32 s3, s0;
	s1 =	sshll.u32 s1, $0x11  }
0xbd: {  	s0 =	sor.u32 s1, s0  }
0xbe: {  	s0 =	sadd.s32 $0x8F2B, s0  }
0xbf: {  	[sflag:s0] =	ssyncadd.remote.s32 $0x1  }
0xc0: {  	_ =	sfence.sel $0xFFFF  }
0xc1: {  	[dreg:$0x0] =	wrdreg $0xFFFFFFFF;
	(pc) =	sbr.abs _section_cstart, $3  }
0xc2: {  	[dreg:$0x1] =	wrdreg $0xFFFFFFFF  }
0xc3: {  	_ =	task.clear_ibuf [dreg:s8], $0x2FFFF;
	_ =	strace $0x9FFFFFFF  }
0xc4: {  	(tm) =	ssettm $0x7FFFFFFF  }
0xc5: {  	_ =	shalt  }
tec
execute0_lowered:
.L_overlay_start_1:
0x0: {  	(tag) =	ssettag $0x1  }
0x1: {  	s1 =	rddreg [dreg:$0x0]  }
0x2: {  	s4 =	rddreg [dreg:$0x1]  }
0x3: {  	s5 =	rddreg [dreg:$0x2];
	s3 =	simm.s32 $0x0  }
0x4: {  	s22 =	simm.s32 $0x880;
	[smem:$0x7FF] =	sst s3  }
0x5: {  	s23 =	simm.s32 $0x1080;
	_ =	strace $0x80000047;
	[dreg:$0x7] =	wrdreg s22  }
0x6: {  	s24 =	simm.s32 $0x1880;
	[dreg:$0x8] =	wrdreg s23  }
0x7: {  	s25 =	simm.s32 $0x2080;
	[dreg:$0x9] =	wrdreg s24  }
0x8: {  	s0 =	stileid.u32;
	s26 =	simm.s32 $0x2880;
	[dreg:$0xa] =	wrdreg s25  }
0x9: {  	s6 =	sshll.u32 s0, $0x5;
	s0 =	simm.s32 $0x3080;
	[dreg:$0xb] =	wrdreg s26  }
0xa: {  	s9 =	simm.s32 $0x5880;
	[dreg:$0xc] =	wrdreg s0  }
0xb: {  	s10 =	simm.s32 $0x6080;
	[dreg:$0x11] =	wrdreg s9  }
0xc: {  	s2 =	srdreg.scid;
	s11 =	simm.s32 $0x6880;
	[dreg:$0x12] =	wrdreg s10  }
0xd: {  	s12 =	simm.s32 $0x7080;
	s13 =	simm.s32 $0x7880;
	[dreg:$0x13] =	wrdreg s11  }
0xe: {  	s14 =	simm.s32 $0x8080;
	s15 =	simm.s32 $0x8880;
	[dreg:$0x14] =	wrdreg s12  }
0xf: {  	s16 =	simm.s32 $0x9080;
	s17 =	simm.s32 $0x9880;
	[dreg:$0x15] =	wrdreg s13  }
0x10: {  	s18 =	simm.s32 $0xA080;
	s28 =	simm.s32 $0x16880;
	[dreg:$0x16] =	wrdreg s14  }
0x11: {  	s29 =	simm.s32 $0x17080;
	s30 =	simm.s32 $0x17880;
	[dreg:$0x17] =	wrdreg s15  }
0x12: {  	s31 =	simm.s32 $0x2;
	s2 =	sand.u32 $0x1, s2;
	[dreg:$0x18] =	wrdreg s16  }
0x13: {  	s5 =	sadd.s32 $0x1600, s5;
	s7 =	sshll.u32 s2, $0x4;
	[dreg:$0x19] =	wrdreg s17  }
0x14: {  	s2 =	ssub.s32 $0x2, s2;
	[dreg:$0x1a] =	wrdreg s18;
	s22 =	simm.s32 $0xB880  }
0x15: {  	s23 =	simm.s32 $0xC880;
	s24 =	simm.s32 $0xD080;
	s25 =	simm.s32 $0xD880  }
0x16: {  	s26 =	simm.s32 $0xE080;
	s9 =	simm.s32 $0x1;
	s10 =	simm.s32 $0xC080  }
0x17: {  	s12 =	simm.s32 $0xF080;
	s13 =	simm.s32 $0xF880;
	[dreg:$0x1d] =	wrdreg s22  }
0x18: {  	s14 =	simm.s32 $0x10080;
	s15 =	simm.s32 $0x10880;
	[dreg:$0x1e] =	wrdreg s23  }
0x19: {  	s16 =	simm.s32 $0x11080;
	s17 =	simm.s32 $0x11880;
	[dreg:$0x1f] =	wrdreg s24  }
0x1a: {  	s18 =	simm.s32 $0x12080;
	s6 =	sor.u32 s7, s6;
	[smem:$0x7FC] =	sst s25  }
0x1b: {  	[smem:$0x7FD] =	sst s26;
	s22 =	simm.s32 $0x14080;
	s23 =	simm.s32 $0x14880  }
0x1c: {  	s24 =	simm.s32 $0x15080;
	s8 =	smul.u32 $0x300, s6;
	s4 =	sadd.s32 s4, s6  }
0x1d: {  	s7 =	smul.u32 $0x1800, s6;
	s6 =	simm.s32 $0x4080;
	[dreg:$0x4] =	wrdreg s4  }
0x1e: {  	s25 =	simm.s32 $0x15880;
	[dreg:$0xe] =	wrdreg s6;
	s20 =	sadd.s32 s5, s8  }
0x1f: {  	s19 =	sshrl.u32 s7, $0x3;
	s7 =	simm.s32 $0x4880;
	[dreg:$0x5] =	wrdreg s20  }
0x20: {  	s26 =	simm.s32 $0x16080;
	s8 =	simm.s32 $0x5080;
	[dreg:$0xf] =	wrdreg s7  }
0x21: {  	s4 =	sadd.s32 $0x100, s1;
	s5 =	sadd.s32 s5, s19;
	[dreg:$0x10] =	wrdreg s8  }
0x22: {  	s19 =	sshrl.u32 s2, $0x1;
	s20 =	simm.s32 $0xA880;
	s7 =	simm.s32 $0x4  }
0x23: {  	s8 =	simm.s32 $0x80;
	s21 =	sadd.s32 $0x1800, s5;
	[dreg:$0x1b] =	wrdreg s20  }
0x24: {  	s5 =	simm.s32 $0x3880;
	s2 =	ssub.s32 s2, s19;
	[dreg:$0x6] =	wrdreg s21  }
0x25: {  	v2 =	vlaneseq.u32;
	s19 =	simm.s32 $0x12880;
	s20 =	simm.s32 $0x13080;
	[dreg:$0xd] =	wrdreg s5  }
0x26: {  	vm0 =	vmmov $0xffff;
	v1 =	vshrl.u32 v2, $0x3;
	s21 =	simm.s32 $0xB080;
	s5 =	sadd.s32 $0x200, s1;
	s6 =	smax.u32 s2, $0x1  }
0x27: {  	v0 =	vand.u32 $0x7, v2;
	v2 =	vor.u32 $0x8, v2;
	v1 =	vmul.u32 $0x8, v1;
	s2 =	simm.s32 $0x3;
	[dreg:$0x1c] =	wrdreg s21;
	s21 =	simm.s32 $0x13880  }
.LBB2_1:
0x28: {  	s0 =	rddreg [dreg:$0x4]  }
0x29: {  	[tilespmem:s3], [sflag:$0x4] =	stream.linear.gather [hbm4b:s0+s3], $0x80, $0x38;
	[tilespmem:$0x18080] =	vst v63  }
0x2a: {  	_ =	swait.ge [sflag:s7], $0x80  }
0x2b: {  	[sflag:s7] =	ssyncset.done $0x0  }
0x2c: {  	[sflag:s7] =	ssyncadd.s32 $0xFFFFFF80  }
0x2d: {  	v3 =	vld [tilespmem:$0x0];
	_ =	sdelay $0x4  }
0x2e: {  	v4 =	vshrl.u32 v3, $0x3  }
0x2f: {  	v4 =	vmul.u32 $0x30, v4  }
0x30: {  	v3 =	vand.u32 $0x7, v3  }
0x31: {  	v3 =	vor.u32 v3, v4  }
0x32: {  	v4 =	vperm.xlane v3, v0;
	_ =	sdelay $0x1  }
0x33: {  	v4 =	vadd.s32 v1, v4;
	_ =	sdelay $0x3  }
0x34: {  	v3 =	vperm.xlane v3, v2  }
0x35: {  	[tilespmem:s8], [sflag:$0x1] =	stream.indirect_vreg.gather [hbm4b:s1+s3], $0x80, v4, vm0, $0xb8;
	[tilespmem:$0x18080] =	vst v63  }
0x36: {  	s0 =	rddreg [dreg:$0x7];
	v3 =	vadd.s32 v1, v3  }
0x37: {  	[tilespmem:s0], [sflag:$0x1] =	stream.indirect_vreg.gather [hbm4b:s4+s3], $0x80, v4, vm0, $0xb8;
	[tilespmem:$0x18080] =	vst v63  }
0x38: {  	s11 =	rddreg [dreg:$0x8]  }
0x39: {  	[tilespmem:s11], [sflag:$0x1] =	stream.indirect_vreg.gather [hbm4b:s5+s3], $0x80, v4, vm0, $0xb8;
	[tilespmem:$0x18080] =	vst v63  }
0x3a: {  	s0 =	rddreg [dreg:$0x9]  }
0x3b: {  	[tilespmem:s0], [sflag:$0x1] =	stream.indirect_vreg.gather [hbm4b:s1+s3], $0x80, v3, vm0, $0xb8;
	[tilespmem:$0x18080] =	vst v63  }
0x3c: {  	s11 =	rddreg [dreg:$0xa]  }
0x3d: {  	[tilespmem:s11], [sflag:$0x1] =	stream.indirect_vreg.gather [hbm4b:s4+s3], $0x80, v3, vm0, $0xb8;
	[tilespmem:$0x18080] =	vst v63  }
0x3e: {  	s0 =	rddreg [dreg:$0xb]  }
0x3f: {  	[tilespmem:s0], [sflag:$0x1] =	stream.indirect_vreg.gather [hbm4b:s5+s3], $0x80, v3, vm0, $0xb8;
	[tilespmem:$0x18080] =	vst v63  }
0x40: {  	v3 =	vld [tilespmem:$0x10];
	_ =	sdelay $0x4  }
0x41: {  	v57 =	vshrl.u32 v3, $0x3  }
0x42: {  	v4 =	vmul.u32 $0x30, v57  }
0x43: {  	v3 =	vand.u32 $0x7, v3  }
0x44: {  	v3 =	vor.u32 v3, v4  }
0x45: {  	v4 =	vperm.xlane v3, v0;
	_ =	sdelay $0x1  }
0x46: {  	v4 =	vadd.s32 v1, v4;
	_ =	sdelay $0x3  }
0x47: {  	s0 =	rddreg [dreg:$0xc];
	v3 =	vperm.xlane v3, v2  }
0x48: {  	[tilespmem:s0], [sflag:$0x1] =	stream.indirect_vreg.gather [hbm4b:s1+s3], $0x80, v4, vm0, $0xb8;
	[tilespmem:$0x18080] =	vst v63  }
0x49: {  	s11 =	rddreg [dreg:$0xd];
	v3 =	vadd.s32 v1, v3  }
0x4a: {  	[tilespmem:s11], [sflag:$0x1] =	stream.indirect_vreg.gather [hbm4b:s4+s3], $0x80, v4, vm0, $0xb8;
	[tilespmem:$0x18080] =	vst v63  }
0x4b: {  	s0 =	rddreg [dreg:$0xe]  }
0x4c: {  	[tilespmem:s0], [sflag:$0x1] =	stream.indirect_vreg.gather [hbm4b:s5+s3], $0x80, v4, vm0, $0xb8;
	[tilespmem:$0x18080] =	vst v63  }
0x4d: {  	s11 =	rddreg [dreg:$0xf]  }
0x4e: {  	[tilespmem:s11], [sflag:$0x1] =	stream.indirect_vreg.gather [hbm4b:s1+s3], $0x80, v3, vm0, $0xb8;
	[tilespmem:$0x18080] =	vst v63  }
0x4f: {  	s0 =	rddreg [dreg:$0x10]  }
0x50: {  	[tilespmem:s0], [sflag:$0x1] =	stream.indirect_vreg.gather [hbm4b:s4+s3], $0x80, v3, vm0, $0xb8;
	[tilespmem:$0x18080] =	vst v63  }
0x51: {  	s11 =	rddreg [dreg:$0x11]  }
0x52: {  	[tilespmem:s11], [sflag:$0x1] =	stream.indirect_vreg.gather [hbm4b:s5+s3], $0x80, v3, vm0, $0xb8;
	[tilespmem:$0x18080] =	vst v63  }
0x53: {  	v3 =	vld [tilespmem:$0x20];
	_ =	sdelay $0x4  }
0x54: {  	v58 =	vshrl.u32 v3, $0x3  }
0x55: {  	v4 =	vmul.u32 $0x30, v58  }
0x56: {  	v3 =	vand.u32 $0x7, v3  }
0x57: {  	v3 =	vor.u32 v3, v4  }
0x58: {  	v4 =	vperm.xlane v3, v0;
	_ =	sdelay $0x1  }
0x59: {  	v4 =	vadd.s32 v1, v4;
	_ =	sdelay $0x3  }
0x5a: {  	s0 =	rddreg [dreg:$0x12];
	v3 =	vperm.xlane v3, v2  }
0x5b: {  	[tilespmem:s0], [sflag:$0x1] =	stream.indirect_vreg.gather [hbm4b:s1+s3], $0x80, v4, vm0, $0xb8;
	[tilespmem:$0x18080] =	vst v63  }
0x5c: {  	s11 =	rddreg [dreg:$0x13];
	v3 =	vadd.s32 v1, v3  }
0x5d: {  	[tilespmem:s11], [sflag:$0x1] =	stream.indirect_vreg.gather [hbm4b:s4+s3], $0x80, v4, vm0, $0xb8;
	[tilespmem:$0x18080] =	vst v63  }
0x5e: {  	s0 =	rddreg [dreg:$0x14]  }
0x5f: {  	[tilespmem:s0], [sflag:$0x1] =	stream.indirect_vreg.gather [hbm4b:s5+s3], $0x80, v4, vm0, $0xb8;
	[tilespmem:$0x18080] =	vst v63  }
0x60: {  	s11 =	rddreg [dreg:$0x15]  }
0x61: {  	[tilespmem:s11], [sflag:$0x1] =	stream.indirect_vreg.gather [hbm4b:s1+s3], $0x80, v3, vm0, $0xb8;
	[tilespmem:$0x18080] =	vst v63  }
0x62: {  	s0 =	rddreg [dreg:$0x16]  }
0x63: {  	[tilespmem:s0], [sflag:$0x1] =	stream.indirect_vreg.gather [hbm4b:s4+s3], $0x80, v3, vm0, $0xb8;
	[tilespmem:$0x18080] =	vst v63  }
0x64: {  	s11 =	rddreg [dreg:$0x17]  }
0x65: {  	[tilespmem:s11], [sflag:$0x1] =	stream.indirect_vreg.gather [hbm4b:s5+s3], $0x80, v3, vm0, $0xb8;
	[tilespmem:$0x18080] =	vst v63  }
0x66: {  	v3 =	vld [tilespmem:$0x30];
	_ =	sdelay $0x4  }
0x67: {  	v59 =	vshrl.u32 v3, $0x3  }
0x68: {  	v4 =	vmul.u32 $0x30, v59  }
0x69: {  	v3 =	vand.u32 $0x7, v3  }
0x6a: {  	v3 =	vor.u32 v3, v4  }
0x6b: {  	v4 =	vperm.xlane v3, v0;
	_ =	sdelay $0x1  }
0x6c: {  	v4 =	vadd.s32 v1, v4;
	_ =	sdelay $0x3  }
0x6d: {  	s0 =	rddreg [dreg:$0x18];
	v3 =	vperm.xlane v3, v2  }
0x6e: {  	[tilespmem:s0], [sflag:$0x1] =	stream.indirect_vreg.gather [hbm4b:s1+s3], $0x80, v4, vm0, $0xb8;
	[tilespmem:$0x18080] =	vst v63  }
0x6f: {  	s11 =	rddreg [dreg:$0x19];
	v3 =	vadd.s32 v1, v3  }
0x70: {  	[tilespmem:s11], [sflag:$0x1] =	stream.indirect_vreg.gather [hbm4b:s4+s3], $0x80, v4, vm0, $0xb8;
	[tilespmem:$0x18080] =	vst v63  }
0x71: {  	s0 =	rddreg [dreg:$0x1a]  }
0x72: {  	[tilespmem:s0], [sflag:$0x1] =	stream.indirect_vreg.gather [hbm4b:s5+s3], $0x80, v4, vm0, $0xb8;
	[tilespmem:$0x18080] =	vst v63  }
0x73: {  	s11 =	rddreg [dreg:$0x1b]  }
0x74: {  	[tilespmem:s11], [sflag:$0x1] =	stream.indirect_vreg.gather [hbm4b:s1+s3], $0x80, v3, vm0, $0xb8;
	[tilespmem:$0x18080] =	vst v63  }
0x75: {  	s0 =	rddreg [dreg:$0x1c]  }
0x76: {  	[tilespmem:s0], [sflag:$0x1] =	stream.indirect_vreg.gather [hbm4b:s4+s3], $0x80, v3, vm0, $0xb8;
	[tilespmem:$0x18080] =	vst v63  }
0x77: {  	s11 =	rddreg [dreg:$0x1d]  }
0x78: {  	[tilespmem:s11], [sflag:$0x1] =	stream.indirect_vreg.gather [hbm4b:s5+s3], $0x80, v3, vm0, $0xb8;
	[tilespmem:$0x18080] =	vst v63  }
0x79: {  	_ =	swait.ge [sflag:s9], $0xC000  }
0x7a: {  	[sflag:s9] =	ssyncset.done $0x0  }
0x7b: {  	[sflag:s9] =	ssyncadd.s32 $0xFFFF4000  }
0x7c: {  	v3 =	vld [tilespmem:$0x40];
	_ =	sdelay $0x4  }
0x7d: {  	v60 =	vshrl.u32 v3, $0x3  }
0x7e: {  	v4 =	vmul.u32 $0x30, v60  }
0x7f: {  	v3 =	vand.u32 $0x7, v3  }
0x80: {  	v3 =	vor.u32 v3, v4  }
0x81: {  	v4 =	vperm.xlane v3, v0;
	_ =	sdelay $0x1  }
0x82: {  	v4 =	vadd.s32 v1, v4;
	_ =	sdelay $0x3  }
0x83: {  	s0 =	rddreg [dreg:$0x1e];
	v3 =	vperm.xlane v3, v2  }
0x84: {  	[tilespmem:s10], [sflag:$0x1] =	stream.indirect_vreg.gather [hbm4b:s1+s3], $0x80, v4, vm0, $0xb8;
	[tilespmem:$0x18080] =	vst v63  }
0x85: {  	s11 =	rddreg [dreg:$0x1f];
	v3 =	vadd.s32 v1, v3  }
0x86: {  	[tilespmem:s0], [sflag:$0x1] =	stream.indirect_vreg.gather [hbm4b:s4+s3], $0x80, v4, vm0, $0xb8;
	[tilespmem:$0x18080] =	vst v63  }
0x87: {  	s0 =	sld [smem:$0x7FC]  }
0x88: {  	[tilespmem:s11], [sflag:$0x1] =	stream.indirect_vreg.gather [hbm4b:s5+s3], $0x80, v4, vm0, $0xb8;
	[tilespmem:$0x18080] =	vst v63  }
0x89: {  	s11 =	sld [smem:$0x7FD]  }
0x8a: {  	[tilespmem:s0], [sflag:$0x1] =	stream.indirect_vreg.gather [hbm4b:s1+s3], $0x80, v3, vm0, $0xb8;
	[tilespmem:$0x18080] =	vst v63  }
0x8b: {  	_ = 	snop  }
0x8c: {  	[tilespmem:s11], [sflag:$0x1] =	stream.indirect_vreg.gather [hbm4b:s4+s3], $0x80, v3, vm0, $0xb8;
	[tilespmem:$0x18080] =	vst v63  }
0x8d: {  	s11 =	simm.s32 $0xE880  }
0x8e: {  	[tilespmem:s11], [sflag:$0x1] =	stream.indirect_vreg.gather [hbm4b:s5+s3], $0x80, v3, vm0, $0xb8;
	[tilespmem:$0x18080] =	vst v63  }
0x8f: {  	v3 =	vld [tilespmem:$0x50];
	_ =	sdelay $0x4  }
0x90: {  	v61 =	vshrl.u32 v3, $0x3  }
0x91: {  	v4 =	vmul.u32 $0x30, v61  }
0x92: {  	v3 =	vand.u32 $0x7, v3  }
0x93: {  	v3 =	vor.u32 v3, v4  }
0x94: {  	v4 =	vperm.xlane v3, v0;
	_ =	sdelay $0x1  }
0x95: {  	v4 =	vadd.s32 v1, v4;
	_ =	sdelay $0x3  }
0x96: {  	v3 =	vperm.xlane v3, v2  }
0x97: {  	[tilespmem:s12], [sflag:$0x1] =	stream.indirect_vreg.gather [hbm4b:s1+s3], $0x80, v4, vm0, $0xb8;
	[tilespmem:$0x18080] =	vst v63  }
0x98: {  	v3 =	vadd.s32 v1, v3  }
0x99: {  	[tilespmem:s13], [sflag:$0x1] =	stream.indirect_vreg.gather [hbm4b:s4+s3], $0x80, v4, vm0, $0xb8;
	[tilespmem:$0x18080] =	vst v63  }
0x9a: {  	_ = 	snop  }
0x9b: {  	[tilespmem:s14], [sflag:$0x1] =	stream.indirect_vreg.gather [hbm4b:s5+s3], $0x80, v4, vm0, $0xb8;
	[tilespmem:$0x18080] =	vst v63  }
0x9c: {  	_ = 	snop  }
0x9d: {  	[tilespmem:s15], [sflag:$0x1] =	stream.indirect_vreg.gather [hbm4b:s1+s3], $0x80, v3, vm0, $0xb8;
	[tilespmem:$0x18080] =	vst v63  }
0x9e: {  	_ = 	snop  }
0x9f: {  	[tilespmem:s16], [sflag:$0x1] =	stream.indirect_vreg.gather [hbm4b:s4+s3], $0x80, v3, vm0, $0xb8;
	[tilespmem:$0x18080] =	vst v63  }
0xa0: {  	_ = 	snop  }
0xa1: {  	[tilespmem:s17], [sflag:$0x1] =	stream.indirect_vreg.gather [hbm4b:s5+s3], $0x80, v3, vm0, $0xb8;
	[tilespmem:$0x18080] =	vst v63  }
0xa2: {  	v3 =	vld [tilespmem:$0x60];
	_ =	sdelay $0x4  }
0xa3: {  	v62 =	vshrl.u32 v3, $0x3  }
0xa4: {  	v4 =	vmul.u32 $0x30, v62  }
0xa5: {  	v3 =	vand.u32 $0x7, v3  }
0xa6: {  	v3 =	vor.u32 v3, v4  }
0xa7: {  	v4 =	vperm.xlane v3, v0;
	_ =	sdelay $0x1  }
0xa8: {  	v4 =	vadd.s32 v1, v4;
	_ =	sdelay $0x3  }
0xa9: {  	v3 =	vperm.xlane v3, v2  }
0xaa: {  	[tilespmem:s18], [sflag:$0x1] =	stream.indirect_vreg.gather [hbm4b:s1+s3], $0x80, v4, vm0, $0xb8;
	[tilespmem:$0x18080] =	vst v63  }
0xab: {  	v3 =	vadd.s32 v1, v3  }
0xac: {  	[tilespmem:s19], [sflag:$0x1] =	stream.indirect_vreg.gather [hbm4b:s4+s3], $0x80, v4, vm0, $0xb8;
	[tilespmem:$0x18080] =	vst v63  }
0xad: {  	_ = 	snop  }
0xae: {  	[tilespmem:s20], [sflag:$0x1] =	stream.indirect_vreg.gather [hbm4b:s5+s3], $0x80, v4, vm0, $0xb8;
	[tilespmem:$0x18080] =	vst v63  }
0xaf: {  	_ = 	snop  }
0xb0: {  	[tilespmem:s21], [sflag:$0x1] =	stream.indirect_vreg.gather [hbm4b:s1+s3], $0x80, v3, vm0, $0xb8;
	[tilespmem:$0x18080] =	vst v63  }
0xb1: {  	_ = 	snop  }
0xb2: {  	[tilespmem:s22], [sflag:$0x1] =	stream.indirect_vreg.gather [hbm4b:s4+s3], $0x80, v3, vm0, $0xb8;
	[tilespmem:$0x18080] =	vst v63  }
0xb3: {  	_ = 	snop  }
0xb4: {  	[tilespmem:s23], [sflag:$0x1] =	stream.indirect_vreg.gather [hbm4b:s5+s3], $0x80, v3, vm0, $0xb8;
	[tilespmem:$0x18080] =	vst v63  }
0xb5: {  	v3 =	vld [tilespmem:$0x70];
	_ =	sdelay $0x4  }
0xb6: {  	v63 =	vshrl.u32 v3, $0x3  }
0xb7: {  	v4 =	vmul.u32 $0x30, v63  }
0xb8: {  	v3 =	vand.u32 $0x7, v3  }
0xb9: {  	v3 =	vor.u32 v3, v4  }
0xba: {  	v4 =	vperm.xlane v3, v0;
	_ =	sdelay $0x1  }
0xbb: {  	v4 =	vadd.s32 v1, v4;
	_ =	sdelay $0x3  }
0xbc: {  	v3 =	vperm.xlane v3, v2  }
0xbd: {  	[tilespmem:s24], [sflag:$0x1] =	stream.indirect_vreg.gather [hbm4b:s1+s3], $0x80, v4, vm0, $0xb8;
	[tilespmem:$0x18080] =	vst v63  }
0xbe: {  	v3 =	vadd.s32 v1, v3  }
0xbf: {  	[tilespmem:s25], [sflag:$0x1] =	stream.indirect_vreg.gather [hbm4b:s4+s3], $0x80, v4, vm0, $0xb8;
	[tilespmem:$0x18080] =	vst v63  }
0xc0: {  	_ = 	snop  }
0xc1: {  	[tilespmem:s26], [sflag:$0x1] =	stream.indirect_vreg.gather [hbm4b:s5+s3], $0x80, v4, vm0, $0xb8;
	[tilespmem:$0x18080] =	vst v63  }
0xc2: {  	_ = 	snop  }
0xc3: {  	[tilespmem:s28], [sflag:$0x1] =	stream.indirect_vreg.gather [hbm4b:s1+s3], $0x80, v3, vm0, $0xb8;
	[tilespmem:$0x18080] =	vst v63  }
0xc4: {  	_ = 	snop  }
0xc5: {  	[tilespmem:s29], [sflag:$0x1] =	stream.indirect_vreg.gather [hbm4b:s4+s3], $0x80, v3, vm0, $0xb8;
	[tilespmem:$0x18080] =	vst v63  }
0xc6: {  	_ = 	snop  }
0xc7: {  	[tilespmem:s30], [sflag:$0x1] =	stream.indirect_vreg.gather [hbm4b:s5+s3], $0x80, v3, vm0, $0xb8;
	[tilespmem:$0x18080] =	vst v63  }
0xc8: {  	s11 =	rddreg [dreg:$0x5]  }
0xc9: {  	[hbm4b:s11+s3] =	stream.linear.scatter [tilespmem:s8], [sflag:$0x2], $0xC000, $0x38;
	[tilespmem:$0x18080] =	vst v63  }
0xca: {  	_ =	swait.ge [sflag:s9], $0xC000  }
0xcb: {  	[sflag:s9] =	ssyncset.done $0x0  }
0xcc: {  	s11 =	rddreg [dreg:$0x6];
	[sflag:s9] =	ssyncadd.s32 $0xFFFF4000  }
0xcd: {  	[hbm4b:s11+s3] =	stream.linear.scatter [tilespmem:s10], [sflag:$0x3], $0xC000, $0x38;
	[tilespmem:$0x18080] =	vst v63  }
0xce: {  	p0 =	sne.s32 s6, $0x1;
	_ =	swait.ge [sflag:s31], $0xC000  }
.Ltmp0:
0xcf: {  	[sflag:s31] =	ssyncset.done $0x0;
	(pc) =	sbr.rel @p0 .LBB2_1-.Ltmp0, $4  }
0xd0: {  	[sflag:s31] =	ssyncadd.s32 $0xFFFF4000  }
0xd1: {  	_ =	swait.ge [sflag:s2], $0xC000  }
0xd2: {  	[sflag:s2] =	ssyncset.done $0x0  }
0xd3: {  	s6 =	sadd.s32 $0xFFFFFFFF, s6;
	[sflag:s2] =	ssyncadd.s32 $0xFFFF4000  }
0xd4: {  	_ =	sfence.sel $0x180000  }
0xd5: {  	[bflag:$0x0] =	sbarrier.arrive $0xFFFF  }
0xd6: {  	_ =	strace $0x90000047  }
0xd7: {  	s0 =	stileid.u32;
	[bflag:$0x2] =	sbarrier.arrive $0xFFFF  }
0xd8: {  	p0 =	sne.s32 s0, $0x0;
	s0 =	rddreg [dreg:$0x3]  }
0xd9: {  	s0 =	sadd.s32 @!p0 $0x100000, s0  }
0xda: {  	[sflag:s0] =	ssyncadd.tile.s32 @!p0 $0x1;
	_ =	shalt  }
.Lfunc_end2:
_tile_overlayer_lowered:
.L_overlay_start_2:
0xdb: {  	(tag) =	ssettag $0x2  }
0xdc: {  	s0 =	rddreg [dreg:$0x0];
	s2 =	stileid.u32  }
0xdd: {  	s1 =	rddreg [dreg:$0x1];
	p0 =	sne.s32 s2, $0x0  }
0xde: {  	s3 =	rddreg [dreg:$0x2];
	[bflag:$0x3] =	sbarrier.arrive $0xFFFF;
	s2 =	simm.s32 @!p0 $0x1C04  }
0xdf: {  	[timem:s3], [sflag:s2] =	dma.local @!p0 [hbm:s0], s1  }
0xe0: {  	s0 =	simm.s32 @!p0 $0x4  }
0xe1: {  	_ =	swait.ge @!p0 [sflag:s0], s1  }
0xe2: {  	s1 =	ssub.s32 @!p0 $0x0, s1;
	[sflag:s0] =	ssyncset.done @!p0 $0x0  }
0xe3: {  	[sflag:s0] =	ssyncadd.s32 @!p0 s1  }
0xe4: {  	[bflag:$0x3] =	sbarrier.arrive $0xFFFF  }
0xe5: {  	_ =	shalt  }

// kernel: kernel.13.cloned.1.call-start
scs
__scs_entry_jumppad:
0x0: {  	(pc) =	sbr.rel $0x88, $3  }
0x1: {  	(tag) =	ssettag $0x0;
	lr =	simm.s32 $0x1  }
0x2: {  	[smem:$0x3F9C] =	sst lr;
	_ =	strace $0xD0000000  }
0x3: {  	_ = 	snop  }
0x4: {  	_ = 	snop  }
0x5: {  	_ = 	snop  }
0x6: {  	_ = 	snop  }
0x7: {  	_ = 	snop  }
__scs_overlays_trampoline_lowered:
0x8: {  	[smem:$0x3FAB] =	sst s0  }
0x9: {  	[smem:$0x3FAC] =	sst s1  }
0xa: {  	[smem:$0x3FAD] =	sst s2  }
0xb: {  	[smem:$0x3FAE] =	sst s3  }
0xc: {  	[smem:$0x3FAF] =	sst s4  }
0xd: {  	[smem:$0x3FB0] =	sst s5  }
0xe: {  	[smem:$0x3FB1] =	sst s6  }
0xf: {  	[smem:$0x3FB2] =	sst s7  }
0x10: {  	[smem:$0x3FB3] =	sst s8  }
0x11: {  	[smem:$0x3FB4] =	sst s9;
	s0 =	simm.s32 @!p0 $0x0  }
0x12: {  	s1 =	sld [smem:$0x3F9A];
	s0 =	simm.s32 @p0 $0x1  }
0x13: {  	[smem:$0x3FB5] =	sst s0;
	s0 =	simm.s32 @!p1 $0x0  }
0x14: {  	s2 =	sld [smem:$0x3F99];
	s0 =	simm.s32 @p1 $0x1  }
0x15: {  	[smem:$0x3FB6] =	sst s0;
	s0 =	simm.s32 @!p2 $0x0  }
0x16: {  	s3 =	sld [smem:$0x3FDB];
	s0 =	simm.s32 @p2 $0x1  }
0x17: {  	s4 =	simm.s32 $0x1BF5;
	[smem:$0x3FB8] =	sst s0  }
0x18: {  	s0 =	sld [smem:$0x3F9B];
	_ =	swait.ge [sflag:s4], $0x0  }
0x19: {  	s7 =	sld [smem:$0x3F9C]  }
0x1a: {  	s8 =	sadd.s32 $0xFFFFE003, lr  }
0x1b: {  	s9 =	sadd.s32 $0xFFFFFEF7, lr;
	s5 =	simm.s32 $0xFFFFFFFF;
	p2 =	slt.u32 s8, $0xFFFFF086  }
0x1c: {  	p1 =	slt.u32 s9, $0xF7A;
	s5 =	simm.s32 @!p2 $0x0  }
0x1d: {  	s5 =	simm.s32 @p1 $0x1;
	p0 =	seq.s32 s7, s2  }
0x1e: {  	s7 =	smul.u32 @!p0 $0xF7A, s2;
	p2 =	seq.s32 @!p0 s5, $0x0  }
0x1f: {  	s9 =	smul.u32 $0xF7A, s1;
	s8 =	simm.s32 @!p0 $0x1BF5;
	p2 =	por !p2, p0  }
0x20: {  	[sflag:s8] =	ssyncset.s32 @!p0 $0xFFFFF086;
	s6 =	sadd.s32 @!p0 s3, s7;
	s7 =	simm.s32 @!p0 $0x108  }
0x21: {  	s3 =	sadd.s32 s3, s9;
	s6 =	sadd.s32 @!p0 $0x88, s6;
	s7 =	simm.s32 @p2 $0x1082  }
0x22: {  	[simem:s7], [sflag:s8] =	dma.local @!p0 [hbm:s6], $0xF7A  }
0x23: {  	s9 =	sor.u32 $0xD0000000, s2;
	s6 =	simm.s32 $0x108;
	_ =	swait.ge @!p0 [sflag:s8], $0x0  }
0x24: {  	s3 =	sadd.s32 $0x88, s3;
	s6 =	simm.s32 @!p1 $0x1082;
	[sflag:s4] =	ssyncset.s32 $0xFFFFF086  }
0x25: {  	[simem:s6], [sflag:s4] =	dma.local [hbm:s3], $0xF7A  }
0x26: {  	[smem:$0x3F9C] =	sst s1;
	(tag) =	ssettag s2;
	_ =	strace s9  }
0x27: {  	s1 =	sld [smem:$0x3FAC]  }
0x28: {  	s2 =	sld [smem:$0x3FAD]  }
0x29: {  	s4 =	sld [smem:$0x3FAF]  }
0x2a: {  	p0 =	seq.s32 s5, $0x0;
	s5 =	sld [smem:$0x3FB0]  }
0x2b: {  	s6 =	sld [smem:$0x3FB1]  }
0x2c: {  	s7 =	sld [smem:$0x3FB2]  }
0x2d: {  	s3 =	simm.s32 $0x108;
	s8 =	sld [smem:$0x3FB3]  }
0x2e: {  	s3 =	simm.s32 @!p0 $0x1082;
	s9 =	sld [smem:$0x3FB4]  }
0x2f: {  	lr =	sadd.s32 s0, s3;
	s0 =	sld [smem:$0x3FAB]  }
0x30: {  	s3 =	sld [smem:$0x3FAE]  }
0x31: {  	[smem:$0x3FB7] =	sst s10  }
0x32: {  	s10 =	sld [smem:$0x3FB5];
	_ =	sdelay $0x3  }
0x33: {  	p0 =	seq.s32 s10, $0x1;
	s10 =	sld [smem:$0x3FB7];
	_ =	sdelay $0x3  }
0x34: {  	[smem:$0x3FB7] =	sst s10  }
0x35: {  	s10 =	sld [smem:$0x3FB6];
	_ =	sdelay $0x3  }
0x36: {  	p1 =	seq.s32 s10, $0x1;
	s10 =	sld [smem:$0x3FB7];
	_ =	sdelay $0x3  }
0x37: {  	[smem:$0x3FB7] =	sst s10  }
0x38: {  	s10 =	sld [smem:$0x3FB8]  }
0x39: {  	_ = 	snop;
	(pc) =	sbr.ind lr, $3  }
0x3a: {  	_ = 	snop  }
0x3b: {  	_ = 	snop  }
0x3c: {  	p2 =	seq.s32 s10, $0x1;
	s10 =	sld [smem:$0x3FB7]  }
0x3d: {  	_ =	shalt  }
0x3e: {  	_ =	shalt  }
0x3f: {  	_ =	shalt  }
0x40: {  	_ =	shalt  }
0x41: {  	_ =	shalt  }
0x42: {  	_ =	shalt  }
0x43: {  	_ =	shalt  }
0x44: {  	_ =	shalt  }
0x45: {  	_ =	shalt  }
0x46: {  	_ =	shalt  }
0x47: {  	_ =	shalt  }
0x48: {  	_ =	shalt  }
0x49: {  	_ =	shalt  }
0x4a: {  	_ =	shalt  }
0x4b: {  	_ =	shalt  }
0x4c: {  	_ =	shalt  }
0x4d: {  	_ =	shalt  }
0x4e: {  	_ =	shalt  }
0x4f: {  	_ =	shalt  }
0x50: {  	_ =	shalt  }
0x51: {  	_ =	shalt  }
0x52: {  	_ =	shalt  }
0x53: {  	_ =	shalt  }
0x54: {  	_ =	shalt  }
0x55: {  	_ =	shalt  }
0x56: {  	_ =	shalt  }
0x57: {  	_ =	shalt  }
0x58: {  	_ =	shalt  }
0x59: {  	_ =	shalt  }
0x5a: {  	_ =	shalt  }
0x5b: {  	_ =	shalt  }
0x5c: {  	_ =	shalt  }
0x5d: {  	_ =	shalt  }
0x5e: {  	_ =	shalt  }
0x5f: {  	_ =	shalt  }
0x60: {  	_ =	shalt  }
0x61: {  	_ =	shalt  }
0x62: {  	_ =	shalt  }
0x63: {  	_ =	shalt  }
0x64: {  	_ =	shalt  }
0x65: {  	_ =	shalt  }
0x66: {  	_ =	shalt  }
0x67: {  	_ =	shalt  }
0x68: {  	_ =	shalt  }
0x69: {  	_ =	shalt  }
0x6a: {  	_ =	shalt  }
0x6b: {  	_ =	shalt  }
0x6c: {  	_ =	shalt  }
0x6d: {  	_ =	shalt  }
0x6e: {  	_ =	shalt  }
0x6f: {  	_ =	shalt  }
0x70: {  	_ =	shalt  }
0x71: {  	_ =	shalt  }
0x72: {  	_ =	shalt  }
0x73: {  	_ =	shalt  }
0x74: {  	_ =	shalt  }
0x75: {  	_ =	shalt  }
0x76: {  	_ =	shalt  }
0x77: {  	_ =	shalt  }
0x78: {  	_ =	shalt  }
0x79: {  	_ =	shalt  }
0x7a: {  	_ =	shalt  }
0x7b: {  	_ =	shalt  }
0x7c: {  	_ =	shalt  }
0x7d: {  	_ =	shalt  }
0x7e: {  	_ =	shalt  }
0x7f: {  	_ =	shalt  }
0x80: {  	_ =	shalt  }
0x81: {  	_ =	shalt  }
0x82: {  	_ =	shalt  }
0x83: {  	_ =	shalt  }
0x84: {  	_ =	shalt  }
0x85: {  	_ =	shalt  }
0x86: {  	_ =	shalt  }
0x87: {  	_ =	shalt  }
.Lfunc_end0:
.L_simem_size_0:
called_computation.1_lowered:
.L_overlay_start_0:
0x88: {  	s2 =	sld [smem:$0x3FD9]  }
0x89: {  	s3 =	sld [smem:$0x3FFE];
	_ =	sdelay $0x1  }
0x8a: {  	s1 =	srdreg.scid  }
0x8b: {  	s0 =	sand.u32 $0x1, s1  }
0x8c: {  	s17 =	sshll.u32 s0, $0xA;
	s2 =	sadd.s32 s3, s2  }
0x8d: {  	s2 =	sadd.s32 s2, s17  }
0x8e: {  	[smem:$0x3FC3] =	sst s2  }
0x8f: {  	_ = 	snop  }
0x90: {  	s18 =	sld [smem:$0x3FC9]  }
0x91: {  	s4 =	sld [smem:$0x3FC7];
	(tm) =	ssettm $0x1  }
0x92: {  	s19 =	sld [smem:$0x3FFB];
	_ =	sdelay $0x3  }
0x93: {  	_ =	strace s19  }
0x94: {  	s2 =	sld [smem:$0x3FFC];
	_ =	sdelay $0x3  }
0x95: {  	_ =	strace s2  }
0x96: {  	s2 =	sld [smem:$0x3FFD];
	_ =	sdelay $0x3  }
0x97: {  	_ =	strace s2  }
0x98: {  	_ =	strace $0x8FFFFFFF  }
0x99: {  	s20 =	sld [smem:$0x3FDB];
	_ =	sdelay $0x1  }
0x9a: {  	s5 =	simm.s32 $_scs_section_size  }
0x9b: {  	s6 =	simm.s32 $_size__tile_overlayer_lowered;
	s7 =	simm.s32 $_tile_overlayer_lowered  }
0x9c: {  	s8 =	simm.s32 $0x1BFF;
	s21 =	sshll.u32 s7, $0x1;
	s5 =	sadd.s32 s5, s20  }
0x9d: {  	s22 =	simm.s32 $0x0;
	s6 =	sshll.u32 s6, $0x1;
	s7 =	sadd.s32 s21, s5  }
0x9e: {  	[timem:s22], [sflag:s8] =	dma.local [hbm:s7], s6  }
0x9f: {  	_ =	swait.ge [sflag:s8], s6  }
0xa0: {  	s6 =	ssub.s32 $0x0, s6;
	[sflag:s8] =	ssyncset.done $0x0  }
0xa1: {  	[sflag:s8] =	ssyncadd.s32 s6;
	_ =	sdelay $0x1  }
0xa2: {  	s23 =	simm.s32 $0x1B8B  }
0xa3: {  	_ =	swait.ge [sflag:s23], $0x1  }
0xa4: {  	[sflag:s23] =	ssyncset.done $0x0  }
0xa5: {  	[sflag:s23] =	ssyncadd.s32 $0xFFFFFFFF  }
0xa6: {  	s6 =	sld [smem:$0x0]  }
0xa7: {  	s7 =	sand.u32 $0xFFFFFFFE, s1  }
0xa8: {  	p0 =	sne.s32 s1, s7  }
0xa9: {  	s7 =	sshll.u32 @p0 s7, $0xE  }
0xaa: {  	s7 =	sadd.s32 @p0 $0x11B8D, s7;
	s8 =	sshll.u32 @p0 s6, $0x11  }
0xab: {  	s7 =	sor.u32 @p0 s8, s7  }
0xac: {  	[sflag:s7] =	ssyncadd.remote.s32 @p0 $0x1;
	_ =	sdelay $0x1  }
0xad: {  	s7 =	simm.s32 @p0 $0x1B8D  }
0xae: {  	_ =	swait.eq @p0 [sflag:s7], $0x1  }
0xaf: {  	[sflag:s7] =	ssyncadd.s32 @p0 $0xFFFFFFFF  }
0xb0: {  	s8 =	sshll.u32 @!p0 s1, $0xE  }
0xb1: {  	s8 =	sor.u32 @!p0 $0x4000, s8;
	s7 =	simm.s32 @!p0 $0x1B8D  }
0xb2: {  	s6 =	sshll.u32 @!p0 s6, $0x11;
	s8 =	sadd.s32 @!p0 $0x11B8D, s8;
	_ =	swait.eq @!p0 [sflag:s7], $0x1  }
0xb3: {  	s6 =	sor.u32 @!p0 s6, s8;
	[sflag:s7] =	ssyncadd.s32 @!p0 $0xFFFFFFFF  }
0xb4: {  	s25 =	simm.s32 $0x1B8E;
	s24 =	sld [smem:$0x3FFE];
	[sflag:s6] =	ssyncadd.remote.s32 @!p0 $0x1  }
0xb5: {  	s26 =	simm.s32 $execute0_lowered;
	[smem:$0x3FD2] =	sst s25  }
0xb6: {  	s7 =	sshll.u32 s26, $0x1;
	_ =	strace $0x80000049;
	[dreg:$0x1] =	wrdreg $0xFFFFFFFF  }
0xb7: {  	s28 =	simm.s32 $_size_execute0_lowered;
	s5 =	sadd.s32 s5, s7;
	[dreg:$0x0] =	wrdreg $0x0  }
0xb8: {  	s7 =	sshll.u32 s28, $0x1;
	[dreg:$0x2] =	wrdreg s5  }
0xb9: {  	[dreg:$0x3] =	wrdreg s7  }
0xba: {  	[dreg:$0x4] =	wrdreg $0xC0  }
0xbb: {  	_ =	task [dreg:s22], $0x5FFFF  }
0xbc: {  	[dreg:$0x1] =	wrdreg $0xFFFFFFFF  }
0xbd: {  	[dreg:$0x0] =	wrdreg $0x60  }
0xbe: {  	[dreg:$0x2] =	wrdreg s4  }
0xbf: {  	[dreg:$0x3] =	wrdreg s18  }
0xc0: {  	[dreg:$0x4] =	wrdreg s24  }
0xc1: {  	[dreg:$0x5] =	wrdreg $0xA  }
0xc2: {  	_ =	task.clear_ibuf [dreg:s22], $0x6FFFF;
	_ =	strace $0x90000049  }
0xc3: {  	s29 =	simm.s32 $0xA;
	_ =	strace $0x8000004B  }
0xc4: {  	_ =	swait.ge [sflag:s29], $0x1  }
0xc5: {  	[sflag:s29] =	ssyncadd.s32 $0xFFFFFFFF  }
0xc6: {  	_ =	strace $0x9000004B  }
0xc7: {  	_ =	sfence  }
0xc8: {  	s30 =	sld [smem:$0x0];
	_ =	sdelay $0x2  }
0xc9: {  	s31 =	sshll.u32 s1, $0xD;
	s1 =	sshrl.u32 s1, $0x2  }
0xca: {  	s4 =	sand.u32 $0x4000, s31;
	s1 =	sadd.s32 s1, s30  }
0xcb: {  	s0 =	sor.u32 s4, s0;
	s1 =	sshll.u32 s1, $0x11  }
0xcc: {  	s0 =	sor.u32 s1, s0  }
0xcd: {  	s0 =	sadd.s32 $0x8F2B, s0  }
0xce: {  	[sflag:s0] =	ssyncadd.remote.s32 $0x1  }
0xcf: {  	_ =	sfence.sel $0xFFFF  }
0xd0: {  	[dreg:$0x0] =	wrdreg $0xFFFFFFFF;
	(pc) =	sbr.abs _section_cstart, $3  }
0xd1: {  	[dreg:$0x1] =	wrdreg $0xFFFFFFFF  }
0xd2: {  	_ =	task.clear_ibuf [dreg:s22], $0x2FFFF;
	_ =	strace $0x9FFFFFFF  }
0xd3: {  	(tm) =	ssettm $0x7FFFFFFF  }
tec
execute0_lowered:
.L_overlay_start_1:
0x0: {  	(tag) =	ssettag $0x1  }
0x1: {  	s1 =	rddreg [dreg:$0x0]  }
0x2: {  	s4 =	rddreg [dreg:$0x1]  }
0x3: {  	s5 =	rddreg [dreg:$0x2];
	s3 =	simm.s32 $0x0  }
0x4: {  	s22 =	simm.s32 $0x880;
	[smem:$0x7FF] =	sst s3  }
0x5: {  	s23 =	simm.s32 $0x1080;
	_ =	strace $0x8000004A;
	[dreg:$0x7] =	wrdreg s22  }
0x6: {  	s24 =	simm.s32 $0x1880;
	[dreg:$0x8] =	wrdreg s23  }
0x7: {  	s25 =	simm.s32 $0x2080;
	[dreg:$0x9] =	wrdreg s24  }
0x8: {  	s0 =	stileid.u32;
	s26 =	simm.s32 $0x2880;
	[dreg:$0xa] =	wrdreg s25  }
0x9: {  	s6 =	sshll.u32 s0, $0x5;
	s0 =	simm.s32 $0x3080;
	[dreg:$0xb] =	wrdreg s26  }
0xa: {  	s8 =	simm.s32 $0x5080;
	[dreg:$0xc] =	wrdreg s0  }
0xb: {  	s9 =	simm.s32 $0x5880;
	[dreg:$0x10] =	wrdreg s8  }
0xc: {  	s10 =	simm.s32 $0x6080;
	[dreg:$0x11] =	wrdreg s9  }
0xd: {  	s11 =	simm.s32 $0x6880;
	[dreg:$0x12] =	wrdreg s10  }
0xe: {  	s2 =	srdreg.scid;
	s12 =	simm.s32 $0x7080;
	[dreg:$0x13] =	wrdreg s11  }
0xf: {  	s13 =	simm.s32 $0x7880;
	s14 =	simm.s32 $0x8080;
	[dreg:$0x14] =	wrdreg s12  }
0x10: {  	s15 =	simm.s32 $0x8880;
	s16 =	simm.s32 $0x9080;
	[dreg:$0x15] =	wrdreg s13  }
0x11: {  	s17 =	simm.s32 $0x9880;
	s18 =	simm.s32 $0xA080;
	[dreg:$0x16] =	wrdreg s14  }
0x12: {  	s28 =	simm.s32 $0x16880;
	s29 =	simm.s32 $0x17080;
	[dreg:$0x17] =	wrdreg s15  }
0x13: {  	s30 =	simm.s32 $0x17880;
	s31 =	simm.s32 $0x2;
	[dreg:$0x18] =	wrdreg s16  }
0x14: {  	s2 =	sand.u32 $0x1, s2;
	s5 =	sadd.s32 $0x61600, s5;
	[dreg:$0x19] =	wrdreg s17  }
0x15: {  	s7 =	sshll.u32 s2, $0x4;
	s2 =	ssub.s32 $0x2, s2;
	[dreg:$0x1a] =	wrdreg s18  }
0x16: {  	s22 =	simm.s32 $0xB880;
	s23 =	simm.s32 $0xC880;
	s24 =	simm.s32 $0xD080  }
0x17: {  	s25 =	simm.s32 $0xD880;
	s8 =	simm.s32 $0x80;
	s26 =	simm.s32 $0xE080  }
0x18: {  	s9 =	simm.s32 $0x1;
	s10 =	simm.s32 $0xC080;
	s12 =	simm.s32 $0xF080  }
0x19: {  	s13 =	simm.s32 $0xF880;
	s14 =	simm.s32 $0x10080;
	[dreg:$0x1d] =	wrdreg s22  }
0x1a: {  	s15 =	simm.s32 $0x10880;
	s16 =	simm.s32 $0x11080;
	[dreg:$0x1e] =	wrdreg s23  }
0x1b: {  	s17 =	simm.s32 $0x11880;
	s18 =	simm.s32 $0x12080;
	[dreg:$0x1f] =	wrdreg s24  }
0x1c: {  	s6 =	sor.u32 s7, s6;
	s19 =	sshrl.u32 s2, $0x1;
	[smem:$0x7FC] =	sst s25  }
0x1d: {  	[smem:$0x7FD] =	sst s26;
	s22 =	simm.s32 $0x14080;
	s23 =	simm.s32 $0x14880  }
0x1e: {  	s24 =	simm.s32 $0x15080;
	s25 =	simm.s32 $0x15880;
	s7 =	smul.u32 $0x1800, s6  }
0x1f: {  	s26 =	simm.s32 $0x16080;
	s4 =	sadd.s32 s6, s4;
	s6 =	smul.u32 $0x300, s6  }
0x20: {  	s2 =	ssub.s32 s2, s19;
	s19 =	simm.s32 $0x12880;
	s4 =	sadd.s32 $0x200, s4  }
0x21: {  	s7 =	sshrl.u32 s7, $0x3;
	[dreg:$0x4] =	wrdreg s4;
	s20 =	sadd.s32 s5, s6  }
0x22: {  	s6 =	simm.s32 $0x4080;
	s4 =	sadd.s32 $0x100, s1;
	[dreg:$0x5] =	wrdreg s20  }
0x23: {  	s5 =	sadd.s32 s5, s7;
	[dreg:$0xe] =	wrdreg s6;
	s7 =	simm.s32 $0x4880  }
0x24: {  	s20 =	simm.s32 $0xA880;
	s6 =	smax.u32 s2, $0x1;
	[dreg:$0xf] =	wrdreg s7  }
0x25: {  	s2 =	simm.s32 $0x3;
	s21 =	sadd.s32 $0x1800, s5;
	[dreg:$0x1b] =	wrdreg s20  }
0x26: {  	v2 =	vlaneseq.u32;
	s5 =	simm.s32 $0x3880;
	s7 =	simm.s32 $0x4;
	[dreg:$0x6] =	wrdreg s21  }
0x27: {  	vm0 =	vmmov $0xffff;
	v1 =	vshrl.u32 v2, $0x3;
	s20 =	simm.s32 $0x13080;
	[dreg:$0xd] =	wrdreg s5;
	s21 =	simm.s32 $0xB080  }
0x28: {  	v0 =	vand.u32 $0x7, v2;
	v2 =	vor.u32 $0x8, v2;
	v1 =	vmul.u32 $0x8, v1;
	s5 =	sadd.s32 $0x200, s1;
	[dreg:$0x1c] =	wrdreg s21;
	s21 =	simm.s32 $0x13880  }
.LBB2_1:
0x29: {  	s0 =	rddreg [dreg:$0x4]  }
0x2a: {  	[tilespmem:s3], [sflag:$0x4] =	stream.linear.gather [hbm4b:s0+s3], $0x80, $0x38;
	[tilespmem:$0x18080] =	vst v63  }
0x2b: {  	_ =	swait.ge [sflag:s7], $0x80  }
0x2c: {  	[sflag:s7] =	ssyncset.done $0x0  }
0x2d: {  	[sflag:s7] =	ssyncadd.s32 $0xFFFFFF80  }
0x2e: {  	v3 =	vld [tilespmem:$0x0];
	_ =	sdelay $0x4  }
0x2f: {  	v4 =	vshrl.u32 v3, $0x3  }
0x30: {  	v4 =	vmul.u32 $0x30, v4  }
0x31: {  	v3 =	vand.u32 $0x7, v3  }
0x32: {  	v3 =	vor.u32 v3, v4  }
0x33: {  	v4 =	vperm.xlane v3, v0;
	_ =	sdelay $0x1  }
0x34: {  	v4 =	vadd.s32 v1, v4;
	_ =	sdelay $0x3  }
0x35: {  	v3 =	vperm.xlane v3, v2  }
0x36: {  	[tilespmem:s8], [sflag:$0x1] =	stream.indirect_vreg.gather [hbm4b:s1+s3], $0x80, v4, vm0, $0xb8;
	[tilespmem:$0x18080] =	vst v63  }
0x37: {  	s0 =	rddreg [dreg:$0x7];
	v3 =	vadd.s32 v1, v3  }
0x38: {  	[tilespmem:s0], [sflag:$0x1] =	stream.indirect_vreg.gather [hbm4b:s4+s3], $0x80, v4, vm0, $0xb8;
	[tilespmem:$0x18080] =	vst v63  }
0x39: {  	s11 =	rddreg [dreg:$0x8]  }
0x3a: {  	[tilespmem:s11], [sflag:$0x1] =	stream.indirect_vreg.gather [hbm4b:s5+s3], $0x80, v4, vm0, $0xb8;
	[tilespmem:$0x18080] =	vst v63  }
0x3b: {  	s0 =	rddreg [dreg:$0x9]  }
0x3c: {  	[tilespmem:s0], [sflag:$0x1] =	stream.indirect_vreg.gather [hbm4b:s1+s3], $0x80, v3, vm0, $0xb8;
	[tilespmem:$0x18080] =	vst v63  }
0x3d: {  	s11 =	rddreg [dreg:$0xa]  }
0x3e: {  	[tilespmem:s11], [sflag:$0x1] =	stream.indirect_vreg.gather [hbm4b:s4+s3], $0x80, v3, vm0, $0xb8;
	[tilespmem:$0x18080] =	vst v63  }
0x3f: {  	s0 =	rddreg [dreg:$0xb]  }
0x40: {  	[tilespmem:s0], [sflag:$0x1] =	stream.indirect_vreg.gather [hbm4b:s5+s3], $0x80, v3, vm0, $0xb8;
	[tilespmem:$0x18080] =	vst v63  }
0x41: {  	v3 =	vld [tilespmem:$0x10];
	_ =	sdelay $0x4  }
0x42: {  	v57 =	vshrl.u32 v3, $0x3  }
0x43: {  	v4 =	vmul.u32 $0x30, v57  }
0x44: {  	v3 =	vand.u32 $0x7, v3  }
0x45: {  	v3 =	vor.u32 v3, v4  }
0x46: {  	v4 =	vperm.xlane v3, v0;
	_ =	sdelay $0x1  }
0x47: {  	v4 =	vadd.s32 v1, v4;
	_ =	sdelay $0x3  }
0x48: {  	s0 =	rddreg [dreg:$0xc];
	v3 =	vperm.xlane v3, v2  }
0x49: {  	[tilespmem:s0], [sflag:$0x1] =	stream.indirect_vreg.gather [hbm4b:s1+s3], $0x80, v4, vm0, $0xb8;
	[tilespmem:$0x18080] =	vst v63  }
0x4a: {  	s11 =	rddreg [dreg:$0xd];
	v3 =	vadd.s32 v1, v3  }
0x4b: {  	[tilespmem:s11], [sflag:$0x1] =	stream.indirect_vreg.gather [hbm4b:s4+s3], $0x80, v4, vm0, $0xb8;
	[tilespmem:$0x18080] =	vst v63  }
0x4c: {  	s0 =	rddreg [dreg:$0xe]  }
0x4d: {  	[tilespmem:s0], [sflag:$0x1] =	stream.indirect_vreg.gather [hbm4b:s5+s3], $0x80, v4, vm0, $0xb8;
	[tilespmem:$0x18080] =	vst v63  }
0x4e: {  	s11 =	rddreg [dreg:$0xf]  }
0x4f: {  	[tilespmem:s11], [sflag:$0x1] =	stream.indirect_vreg.gather [hbm4b:s1+s3], $0x80, v3, vm0, $0xb8;
	[tilespmem:$0x18080] =	vst v63  }
0x50: {  	s0 =	rddreg [dreg:$0x10]  }
0x51: {  	[tilespmem:s0], [sflag:$0x1] =	stream.indirect_vreg.gather [hbm4b:s4+s3], $0x80, v3, vm0, $0xb8;
	[tilespmem:$0x18080] =	vst v63  }
0x52: {  	s11 =	rddreg [dreg:$0x11]  }
0x53: {  	[tilespmem:s11], [sflag:$0x1] =	stream.indirect_vreg.gather [hbm4b:s5+s3], $0x80, v3, vm0, $0xb8;
	[tilespmem:$0x18080] =	vst v63  }
0x54: {  	v3 =	vld [tilespmem:$0x20];
	_ =	sdelay $0x4  }
0x55: {  	v58 =	vshrl.u32 v3, $0x3  }
0x56: {  	v4 =	vmul.u32 $0x30, v58  }
0x57: {  	v3 =	vand.u32 $0x7, v3  }
0x58: {  	v3 =	vor.u32 v3, v4  }
0x59: {  	v4 =	vperm.xlane v3, v0;
	_ =	sdelay $0x1  }
0x5a: {  	v4 =	vadd.s32 v1, v4;
	_ =	sdelay $0x3  }
0x5b: {  	s0 =	rddreg [dreg:$0x12];
	v3 =	vperm.xlane v3, v2  }
0x5c: {  	[tilespmem:s0], [sflag:$0x1] =	stream.indirect_vreg.gather [hbm4b:s1+s3], $0x80, v4, vm0, $0xb8;
	[tilespmem:$0x18080] =	vst v63  }
0x5d: {  	s11 =	rddreg [dreg:$0x13];
	v3 =	vadd.s32 v1, v3  }
0x5e: {  	[tilespmem:s11], [sflag:$0x1] =	stream.indirect_vreg.gather [hbm4b:s4+s3], $0x80, v4, vm0, $0xb8;
	[tilespmem:$0x18080] =	vst v63  }
0x5f: {  	s0 =	rddreg [dreg:$0x14]  }
0x60: {  	[tilespmem:s0], [sflag:$0x1] =	stream.indirect_vreg.gather [hbm4b:s5+s3], $0x80, v4, vm0, $0xb8;
	[tilespmem:$0x18080] =	vst v63  }
0x61: {  	s11 =	rddreg [dreg:$0x15]  }
0x62: {  	[tilespmem:s11], [sflag:$0x1] =	stream.indirect_vreg.gather [hbm4b:s1+s3], $0x80, v3, vm0, $0xb8;
	[tilespmem:$0x18080] =	vst v63  }
0x63: {  	s0 =	rddreg [dreg:$0x16]  }
0x64: {  	[tilespmem:s0], [sflag:$0x1] =	stream.indirect_vreg.gather [hbm4b:s4+s3], $0x80, v3, vm0, $0xb8;
	[tilespmem:$0x18080] =	vst v63  }
0x65: {  	s11 =	rddreg [dreg:$0x17]  }
0x66: {  	[tilespmem:s11], [sflag:$0x1] =	stream.indirect_vreg.gather [hbm4b:s5+s3], $0x80, v3, vm0, $0xb8;
	[tilespmem:$0x18080] =	vst v63  }
0x67: {  	v3 =	vld [tilespmem:$0x30];
	_ =	sdelay $0x4  }
0x68: {  	v59 =	vshrl.u32 v3, $0x3  }
0x69: {  	v4 =	vmul.u32 $0x30, v59  }
0x6a: {  	v3 =	vand.u32 $0x7, v3  }
0x6b: {  	v3 =	vor.u32 v3, v4  }
0x6c: {  	v4 =	vperm.xlane v3, v0;
	_ =	sdelay $0x1  }
0x6d: {  	v4 =	vadd.s32 v1, v4;
	_ =	sdelay $0x3  }
0x6e: {  	s0 =	rddreg [dreg:$0x18];
	v3 =	vperm.xlane v3, v2  }
0x6f: {  	[tilespmem:s0], [sflag:$0x1] =	stream.indirect_vreg.gather [hbm4b:s1+s3], $0x80, v4, vm0, $0xb8;
	[tilespmem:$0x18080] =	vst v63  }
0x70: {  	s11 =	rddreg [dreg:$0x19];
	v3 =	vadd.s32 v1, v3  }
0x71: {  	[tilespmem:s11], [sflag:$0x1] =	stream.indirect_vreg.gather [hbm4b:s4+s3], $0x80, v4, vm0, $0xb8;
	[tilespmem:$0x18080] =	vst v63  }
0x72: {  	s0 =	rddreg [dreg:$0x1a]  }
0x73: {  	[tilespmem:s0], [sflag:$0x1] =	stream.indirect_vreg.gather [hbm4b:s5+s3], $0x80, v4, vm0, $0xb8;
	[tilespmem:$0x18080] =	vst v63  }
0x74: {  	s11 =	rddreg [dreg:$0x1b]  }
0x75: {  	[tilespmem:s11], [sflag:$0x1] =	stream.indirect_vreg.gather [hbm4b:s1+s3], $0x80, v3, vm0, $0xb8;
	[tilespmem:$0x18080] =	vst v63  }
0x76: {  	s0 =	rddreg [dreg:$0x1c]  }
0x77: {  	[tilespmem:s0], [sflag:$0x1] =	stream.indirect_vreg.gather [hbm4b:s4+s3], $0x80, v3, vm0, $0xb8;
	[tilespmem:$0x18080] =	vst v63  }
0x78: {  	s11 =	rddreg [dreg:$0x1d]  }
0x79: {  	[tilespmem:s11], [sflag:$0x1] =	stream.indirect_vreg.gather [hbm4b:s5+s3], $0x80, v3, vm0, $0xb8;
	[tilespmem:$0x18080] =	vst v63  }
0x7a: {  	_ =	swait.ge [sflag:s9], $0xC000  }
0x7b: {  	[sflag:s9] =	ssyncset.done $0x0  }
0x7c: {  	[sflag:s9] =	ssyncadd.s32 $0xFFFF4000  }
0x7d: {  	v3 =	vld [tilespmem:$0x40];
	_ =	sdelay $0x4  }
0x7e: {  	v60 =	vshrl.u32 v3, $0x3  }
0x7f: {  	v4 =	vmul.u32 $0x30, v60  }
0x80: {  	v3 =	vand.u32 $0x7, v3  }
0x81: {  	v3 =	vor.u32 v3, v4  }
0x82: {  	v4 =	vperm.xlane v3, v0;
	_ =	sdelay $0x1  }
0x83: {  	v4 =	vadd.s32 v1, v4;
	_ =	sdelay $0x3  }
0x84: {  	s0 =	rddreg [dreg:$0x1e];
	v3 =	vperm.xlane v3, v2  }
0x85: {  	[tilespmem:s10], [sflag:$0x1] =	stream.indirect_vreg.gather [hbm4b:s1+s3], $0x80, v4, vm0, $0xb8;
	[tilespmem:$0x18080] =	vst v63  }
0x86: {  	s11 =	rddreg [dreg:$0x1f];
	v3 =	vadd.s32 v1, v3  }
0x87: {  	[tilespmem:s0], [sflag:$0x1] =	stream.indirect_vreg.gather [hbm4b:s4+s3], $0x80, v4, vm0, $0xb8;
	[tilespmem:$0x18080] =	vst v63  }
0x88: {  	s0 =	sld [smem:$0x7FC]  }
0x89: {  	[tilespmem:s11], [sflag:$0x1] =	stream.indirect_vreg.gather [hbm4b:s5+s3], $0x80, v4, vm0, $0xb8;
	[tilespmem:$0x18080] =	vst v63  }
0x8a: {  	s11 =	sld [smem:$0x7FD]  }
0x8b: {  	[tilespmem:s0], [sflag:$0x1] =	stream.indirect_vreg.gather [hbm4b:s1+s3], $0x80, v3, vm0, $0xb8;
	[tilespmem:$0x18080] =	vst v63  }
0x8c: {  	_ = 	snop  }
0x8d: {  	[tilespmem:s11], [sflag:$0x1] =	stream.indirect_vreg.gather [hbm4b:s4+s3], $0x80, v3, vm0, $0xb8;
	[tilespmem:$0x18080] =	vst v63  }
0x8e: {  	s11 =	simm.s32 $0xE880  }
0x8f: {  	[tilespmem:s11], [sflag:$0x1] =	stream.indirect_vreg.gather [hbm4b:s5+s3], $0x80, v3, vm0, $0xb8;
	[tilespmem:$0x18080] =	vst v63  }
0x90: {  	v3 =	vld [tilespmem:$0x50];
	_ =	sdelay $0x4  }
0x91: {  	v61 =	vshrl.u32 v3, $0x3  }
0x92: {  	v4 =	vmul.u32 $0x30, v61  }
0x93: {  	v3 =	vand.u32 $0x7, v3  }
0x94: {  	v3 =	vor.u32 v3, v4  }
0x95: {  	v4 =	vperm.xlane v3, v0;
	_ =	sdelay $0x1  }
0x96: {  	v4 =	vadd.s32 v1, v4;
	_ =	sdelay $0x3  }
0x97: {  	v3 =	vperm.xlane v3, v2  }
0x98: {  	[tilespmem:s12], [sflag:$0x1] =	stream.indirect_vreg.gather [hbm4b:s1+s3], $0x80, v4, vm0, $0xb8;
	[tilespmem:$0x18080] =	vst v63  }
0x99: {  	v3 =	vadd.s32 v1, v3  }
0x9a: {  	[tilespmem:s13], [sflag:$0x1] =	stream.indirect_vreg.gather [hbm4b:s4+s3], $0x80, v4, vm0, $0xb8;
	[tilespmem:$0x18080] =	vst v63  }
0x9b: {  	_ = 	snop  }
0x9c: {  	[tilespmem:s14], [sflag:$0x1] =	stream.indirect_vreg.gather [hbm4b:s5+s3], $0x80, v4, vm0, $0xb8;
	[tilespmem:$0x18080] =	vst v63  }
0x9d: {  	_ = 	snop  }
0x9e: {  	[tilespmem:s15], [sflag:$0x1] =	stream.indirect_vreg.gather [hbm4b:s1+s3], $0x80, v3, vm0, $0xb8;
	[tilespmem:$0x18080] =	vst v63  }
0x9f: {  	_ = 	snop  }
0xa0: {  	[tilespmem:s16], [sflag:$0x1] =	stream.indirect_vreg.gather [hbm4b:s4+s3], $0x80, v3, vm0, $0xb8;
	[tilespmem:$0x18080] =	vst v63  }
0xa1: {  	_ = 	snop  }
0xa2: {  	[tilespmem:s17], [sflag:$0x1] =	stream.indirect_vreg.gather [hbm4b:s5+s3], $0x80, v3, vm0, $0xb8;
	[tilespmem:$0x18080] =	vst v63  }
0xa3: {  	v3 =	vld [tilespmem:$0x60];
	_ =	sdelay $0x4  }
0xa4: {  	v62 =	vshrl.u32 v3, $0x3  }
0xa5: {  	v4 =	vmul.u32 $0x30, v62  }
0xa6: {  	v3 =	vand.u32 $0x7, v3  }
0xa7: {  	v3 =	vor.u32 v3, v4  }
0xa8: {  	v4 =	vperm.xlane v3, v0;
	_ =	sdelay $0x1  }
0xa9: {  	v4 =	vadd.s32 v1, v4;
	_ =	sdelay $0x3  }
0xaa: {  	v3 =	vperm.xlane v3, v2  }
0xab: {  	[tilespmem:s18], [sflag:$0x1] =	stream.indirect_vreg.gather [hbm4b:s1+s3], $0x80, v4, vm0, $0xb8;
	[tilespmem:$0x18080] =	vst v63  }
0xac: {  	v3 =	vadd.s32 v1, v3  }
0xad: {  	[tilespmem:s19], [sflag:$0x1] =	stream.indirect_vreg.gather [hbm4b:s4+s3], $0x80, v4, vm0, $0xb8;
	[tilespmem:$0x18080] =	vst v63  }
0xae: {  	_ = 	snop  }
0xaf: {  	[tilespmem:s20], [sflag:$0x1] =	stream.indirect_vreg.gather [hbm4b:s5+s3], $0x80, v4, vm0, $0xb8;
	[tilespmem:$0x18080] =	vst v63  }
0xb0: {  	_ = 	snop  }
0xb1: {  	[tilespmem:s21], [sflag:$0x1] =	stream.indirect_vreg.gather [hbm4b:s1+s3], $0x80, v3, vm0, $0xb8;
	[tilespmem:$0x18080] =	vst v63  }
0xb2: {  	_ = 	snop  }
0xb3: {  	[tilespmem:s22], [sflag:$0x1] =	stream.indirect_vreg.gather [hbm4b:s4+s3], $0x80, v3, vm0, $0xb8;
	[tilespmem:$0x18080] =	vst v63  }
0xb4: {  	_ = 	snop  }
0xb5: {  	[tilespmem:s23], [sflag:$0x1] =	stream.indirect_vreg.gather [hbm4b:s5+s3], $0x80, v3, vm0, $0xb8;
	[tilespmem:$0x18080] =	vst v63  }
0xb6: {  	v3 =	vld [tilespmem:$0x70];
	_ =	sdelay $0x4  }
0xb7: {  	v63 =	vshrl.u32 v3, $0x3  }
0xb8: {  	v4 =	vmul.u32 $0x30, v63  }
0xb9: {  	v3 =	vand.u32 $0x7, v3  }
0xba: {  	v3 =	vor.u32 v3, v4  }
0xbb: {  	v4 =	vperm.xlane v3, v0;
	_ =	sdelay $0x1  }
0xbc: {  	v4 =	vadd.s32 v1, v4;
	_ =	sdelay $0x3  }
0xbd: {  	v3 =	vperm.xlane v3, v2  }
0xbe: {  	[tilespmem:s24], [sflag:$0x1] =	stream.indirect_vreg.gather [hbm4b:s1+s3], $0x80, v4, vm0, $0xb8;
	[tilespmem:$0x18080] =	vst v63  }
0xbf: {  	v3 =	vadd.s32 v1, v3  }
0xc0: {  	[tilespmem:s25], [sflag:$0x1] =	stream.indirect_vreg.gather [hbm4b:s4+s3], $0x80, v4, vm0, $0xb8;
	[tilespmem:$0x18080] =	vst v63  }
0xc1: {  	_ = 	snop  }
0xc2: {  	[tilespmem:s26], [sflag:$0x1] =	stream.indirect_vreg.gather [hbm4b:s5+s3], $0x80, v4, vm0, $0xb8;
	[tilespmem:$0x18080] =	vst v63  }
0xc3: {  	_ = 	snop  }
0xc4: {  	[tilespmem:s28], [sflag:$0x1] =	stream.indirect_vreg.gather [hbm4b:s1+s3], $0x80, v3, vm0, $0xb8;
	[tilespmem:$0x18080] =	vst v63  }
0xc5: {  	_ = 	snop  }
0xc6: {  	[tilespmem:s29], [sflag:$0x1] =	stream.indirect_vreg.gather [hbm4b:s4+s3], $0x80, v3, vm0, $0xb8;
	[tilespmem:$0x18080] =	vst v63  }
0xc7: {  	_ = 	snop  }
0xc8: {  	[tilespmem:s30], [sflag:$0x1] =	stream.indirect_vreg.gather [hbm4b:s5+s3], $0x80, v3, vm0, $0xb8;
	[tilespmem:$0x18080] =	vst v63  }
0xc9: {  	s11 =	rddreg [dreg:$0x5]  }
0xca: {  	[hbm4b:s11+s3] =	stream.linear.scatter [tilespmem:s8], [sflag:$0x2], $0xC000, $0x38;
	[tilespmem:$0x18080] =	vst v63  }
0xcb: {  	_ =	swait.ge [sflag:s9], $0xC000  }
0xcc: {  	[sflag:s9] =	ssyncset.done $0x0  }
0xcd: {  	s11 =	rddreg [dreg:$0x6];
	[sflag:s9] =	ssyncadd.s32 $0xFFFF4000  }
0xce: {  	[hbm4b:s11+s3] =	stream.linear.scatter [tilespmem:s10], [sflag:$0x3], $0xC000, $0x38;
	[tilespmem:$0x18080] =	vst v63  }
0xcf: {  	p0 =	sne.s32 s6, $0x1;
	_ =	swait.ge [sflag:s31], $0xC000  }
.Ltmp0:
0xd0: {  	[sflag:s31] =	ssyncset.done $0x0;
	(pc) =	sbr.rel @p0 .LBB2_1-.Ltmp0, $4  }
0xd1: {  	[sflag:s31] =	ssyncadd.s32 $0xFFFF4000  }
0xd2: {  	_ =	swait.ge [sflag:s2], $0xC000  }
0xd3: {  	[sflag:s2] =	ssyncset.done $0x0  }
0xd4: {  	s6 =	sadd.s32 $0xFFFFFFFF, s6;
	[sflag:s2] =	ssyncadd.s32 $0xFFFF4000  }
0xd5: {  	_ =	sfence.sel $0x180000  }
0xd6: {  	[bflag:$0x0] =	sbarrier.arrive $0xFFFF  }
0xd7: {  	_ =	strace $0x9000004A  }
0xd8: {  	s0 =	stileid.u32;
	[bflag:$0x2] =	sbarrier.arrive $0xFFFF  }
0xd9: {  	p0 =	sne.s32 s0, $0x0;
	s0 =	rddreg [dreg:$0x3]  }
0xda: {  	s0 =	sadd.s32 @!p0 $0x100000, s0  }
0xdb: {  	[sflag:s0] =	ssyncadd.tile.s32 @!p0 $0x1;
	_ =	shalt  }
.Lfunc_end2:
_tile_overlayer_lowered:
.L_overlay_start_2:
0xdc: {  	(tag) =	ssettag $0x2  }
0xdd: {  	s0 =	rddreg [dreg:$0x0];
	s2 =	stileid.u32  }
0xde: {  	s1 =	rddreg [dreg:$0x1];
	p0 =	sne.s32 s2, $0x0  }
0xdf: {  	s3 =	rddreg [dreg:$0x2];
	[bflag:$0x3] =	sbarrier.arrive $0xFFFF;
	s2 =	simm.s32 @!p0 $0x1C04  }
0xe0: {  	[timem:s3], [sflag:s2] =	dma.local @!p0 [hbm:s0], s1  }
0xe1: {  	s0 =	simm.s32 @!p0 $0x4  }
0xe2: {  	_ =	swait.ge @!p0 [sflag:s0], s1  }
0xe3: {  	s1 =	ssub.s32 @!p0 $0x0, s1;
	[sflag:s0] =	ssyncset.done @!p0 $0x0  }
0xe4: {  	[sflag:s0] =	ssyncadd.s32 @!p0 s1  }
0xe5: {  	[bflag:$0x3] =	sbarrier.arrive $0xFFFF  }
0xe6: {  	_ =	shalt  }

// kernel: kernel.16.cloned.1.call-start
scs
__scs_entry_jumppad:
0x0: {  	(pc) =	sbr.rel $0x88, $3  }
0x1: {  	(tag) =	ssettag $0x0;
	lr =	simm.s32 $0x1  }
0x2: {  	[smem:$0x3F9C] =	sst lr;
	_ =	strace $0xD0000000  }
0x3: {  	_ = 	snop  }
0x4: {  	_ = 	snop  }
0x5: {  	_ = 	snop  }
0x6: {  	_ = 	snop  }
0x7: {  	_ = 	snop  }
__scs_overlays_trampoline_lowered:
0x8: {  	[smem:$0x3FAB] =	sst s0  }
0x9: {  	[smem:$0x3FAC] =	sst s1  }
0xa: {  	[smem:$0x3FAD] =	sst s2  }
0xb: {  	[smem:$0x3FAE] =	sst s3  }
0xc: {  	[smem:$0x3FAF] =	sst s4  }
0xd: {  	[smem:$0x3FB0] =	sst s5  }
0xe: {  	[smem:$0x3FB1] =	sst s6  }
0xf: {  	[smem:$0x3FB2] =	sst s7  }
0x10: {  	[smem:$0x3FB3] =	sst s8  }
0x11: {  	[smem:$0x3FB4] =	sst s9;
	s0 =	simm.s32 @!p0 $0x0  }
0x12: {  	s1 =	sld [smem:$0x3F9A];
	s0 =	simm.s32 @p0 $0x1  }
0x13: {  	[smem:$0x3FB5] =	sst s0;
	s0 =	simm.s32 @!p1 $0x0  }
0x14: {  	s2 =	sld [smem:$0x3F99];
	s0 =	simm.s32 @p1 $0x1  }
0x15: {  	[smem:$0x3FB6] =	sst s0;
	s0 =	simm.s32 @!p2 $0x0  }
0x16: {  	s3 =	sld [smem:$0x3FDB];
	s0 =	simm.s32 @p2 $0x1  }
0x17: {  	s4 =	simm.s32 $0x1BF5;
	[smem:$0x3FB8] =	sst s0  }
0x18: {  	s0 =	sld [smem:$0x3F9B];
	_ =	swait.ge [sflag:s4], $0x0  }
0x19: {  	s7 =	sld [smem:$0x3F9C]  }
0x1a: {  	s8 =	sadd.s32 $0xFFFFE003, lr  }
0x1b: {  	s9 =	sadd.s32 $0xFFFFFEF7, lr;
	s5 =	simm.s32 $0xFFFFFFFF;
	p2 =	slt.u32 s8, $0xFFFFF086  }
0x1c: {  	p1 =	slt.u32 s9, $0xF7A;
	s5 =	simm.s32 @!p2 $0x0  }
0x1d: {  	s5 =	simm.s32 @p1 $0x1;
	p0 =	seq.s32 s7, s2  }
0x1e: {  	s7 =	smul.u32 @!p0 $0xF7A, s2;
	p2 =	seq.s32 @!p0 s5, $0x0  }
0x1f: {  	s9 =	smul.u32 $0xF7A, s1;
	s8 =	simm.s32 @!p0 $0x1BF5;
	p2 =	por !p2, p0  }
0x20: {  	[sflag:s8] =	ssyncset.s32 @!p0 $0xFFFFF086;
	s6 =	sadd.s32 @!p0 s3, s7;
	s7 =	simm.s32 @!p0 $0x108  }
0x21: {  	s3 =	sadd.s32 s3, s9;
	s6 =	sadd.s32 @!p0 $0x88, s6;
	s7 =	simm.s32 @p2 $0x1082  }
0x22: {  	[simem:s7], [sflag:s8] =	dma.local @!p0 [hbm:s6], $0xF7A  }
0x23: {  	s9 =	sor.u32 $0xD0000000, s2;
	s6 =	simm.s32 $0x108;
	_ =	swait.ge @!p0 [sflag:s8], $0x0  }
0x24: {  	s3 =	sadd.s32 $0x88, s3;
	s6 =	simm.s32 @!p1 $0x1082;
	[sflag:s4] =	ssyncset.s32 $0xFFFFF086  }
0x25: {  	[simem:s6], [sflag:s4] =	dma.local [hbm:s3], $0xF7A  }
0x26: {  	[smem:$0x3F9C] =	sst s1;
	(tag) =	ssettag s2;
	_ =	strace s9  }
0x27: {  	s1 =	sld [smem:$0x3FAC]  }
0x28: {  	s2 =	sld [smem:$0x3FAD]  }
0x29: {  	s4 =	sld [smem:$0x3FAF]  }
0x2a: {  	p0 =	seq.s32 s5, $0x0;
	s5 =	sld [smem:$0x3FB0]  }
0x2b: {  	s6 =	sld [smem:$0x3FB1]  }
0x2c: {  	s7 =	sld [smem:$0x3FB2]  }
0x2d: {  	s3 =	simm.s32 $0x108;
	s8 =	sld [smem:$0x3FB3]  }
0x2e: {  	s3 =	simm.s32 @!p0 $0x1082;
	s9 =	sld [smem:$0x3FB4]  }
0x2f: {  	lr =	sadd.s32 s0, s3;
	s0 =	sld [smem:$0x3FAB]  }
0x30: {  	s3 =	sld [smem:$0x3FAE]  }
0x31: {  	[smem:$0x3FB7] =	sst s10  }
0x32: {  	s10 =	sld [smem:$0x3FB5];
	_ =	sdelay $0x3  }
0x33: {  	p0 =	seq.s32 s10, $0x1;
	s10 =	sld [smem:$0x3FB7];
	_ =	sdelay $0x3  }
0x34: {  	[smem:$0x3FB7] =	sst s10  }
0x35: {  	s10 =	sld [smem:$0x3FB6];
	_ =	sdelay $0x3  }
0x36: {  	p1 =	seq.s32 s10, $0x1;
	s10 =	sld [smem:$0x3FB7];
	_ =	sdelay $0x3  }
0x37: {  	[smem:$0x3FB7] =	sst s10  }
0x38: {  	s10 =	sld [smem:$0x3FB8]  }
0x39: {  	_ = 	snop;
	(pc) =	sbr.ind lr, $3  }
0x3a: {  	_ = 	snop  }
0x3b: {  	_ = 	snop  }
0x3c: {  	p2 =	seq.s32 s10, $0x1;
	s10 =	sld [smem:$0x3FB7]  }
0x3d: {  	_ =	shalt  }
0x3e: {  	_ =	shalt  }
0x3f: {  	_ =	shalt  }
0x40: {  	_ =	shalt  }
0x41: {  	_ =	shalt  }
0x42: {  	_ =	shalt  }
0x43: {  	_ =	shalt  }
0x44: {  	_ =	shalt  }
0x45: {  	_ =	shalt  }
0x46: {  	_ =	shalt  }
0x47: {  	_ =	shalt  }
0x48: {  	_ =	shalt  }
0x49: {  	_ =	shalt  }
0x4a: {  	_ =	shalt  }
0x4b: {  	_ =	shalt  }
0x4c: {  	_ =	shalt  }
0x4d: {  	_ =	shalt  }
0x4e: {  	_ =	shalt  }
0x4f: {  	_ =	shalt  }
0x50: {  	_ =	shalt  }
0x51: {  	_ =	shalt  }
0x52: {  	_ =	shalt  }
0x53: {  	_ =	shalt  }
0x54: {  	_ =	shalt  }
0x55: {  	_ =	shalt  }
0x56: {  	_ =	shalt  }
0x57: {  	_ =	shalt  }
0x58: {  	_ =	shalt  }
0x59: {  	_ =	shalt  }
0x5a: {  	_ =	shalt  }
0x5b: {  	_ =	shalt  }
0x5c: {  	_ =	shalt  }
0x5d: {  	_ =	shalt  }
0x5e: {  	_ =	shalt  }
0x5f: {  	_ =	shalt  }
0x60: {  	_ =	shalt  }
0x61: {  	_ =	shalt  }
0x62: {  	_ =	shalt  }
0x63: {  	_ =	shalt  }
0x64: {  	_ =	shalt  }
0x65: {  	_ =	shalt  }
0x66: {  	_ =	shalt  }
0x67: {  	_ =	shalt  }
0x68: {  	_ =	shalt  }
0x69: {  	_ =	shalt  }
0x6a: {  	_ =	shalt  }
0x6b: {  	_ =	shalt  }
0x6c: {  	_ =	shalt  }
0x6d: {  	_ =	shalt  }
0x6e: {  	_ =	shalt  }
0x6f: {  	_ =	shalt  }
0x70: {  	_ =	shalt  }
0x71: {  	_ =	shalt  }
0x72: {  	_ =	shalt  }
0x73: {  	_ =	shalt  }
0x74: {  	_ =	shalt  }
0x75: {  	_ =	shalt  }
0x76: {  	_ =	shalt  }
0x77: {  	_ =	shalt  }
0x78: {  	_ =	shalt  }
0x79: {  	_ =	shalt  }
0x7a: {  	_ =	shalt  }
0x7b: {  	_ =	shalt  }
0x7c: {  	_ =	shalt  }
0x7d: {  	_ =	shalt  }
0x7e: {  	_ =	shalt  }
0x7f: {  	_ =	shalt  }
0x80: {  	_ =	shalt  }
0x81: {  	_ =	shalt  }
0x82: {  	_ =	shalt  }
0x83: {  	_ =	shalt  }
0x84: {  	_ =	shalt  }
0x85: {  	_ =	shalt  }
0x86: {  	_ =	shalt  }
0x87: {  	_ =	shalt  }
.Lfunc_end0:
.L_simem_size_0:
called_computation.2_lowered:
.L_overlay_start_0:
0x88: {  	s2 =	sld [smem:$0x3FD9]  }
0x89: {  	s3 =	sld [smem:$0x3FFE];
	_ =	sdelay $0x1  }
0x8a: {  	s1 =	srdreg.scid  }
0x8b: {  	s0 =	sand.u32 $0x1, s1  }
0x8c: {  	s17 =	sshll.u32 s0, $0xA;
	s2 =	sadd.s32 s3, s2  }
0x8d: {  	s2 =	sadd.s32 s2, s17  }
0x8e: {  	[smem:$0x3FC3] =	sst s2  }
0x8f: {  	_ = 	snop  }
0x90: {  	s18 =	sld [smem:$0x3FC9]  }
0x91: {  	s4 =	sld [smem:$0x3FC7];
	(tm) =	ssettm $0x1  }
0x92: {  	s19 =	sld [smem:$0x3FFB];
	_ =	sdelay $0x3  }
0x93: {  	_ =	strace s19  }
0x94: {  	s2 =	sld [smem:$0x3FFC];
	_ =	sdelay $0x3  }
0x95: {  	_ =	strace s2  }
0x96: {  	s2 =	sld [smem:$0x3FFD];
	_ =	sdelay $0x3  }
0x97: {  	_ =	strace s2  }
0x98: {  	_ =	strace $0x8FFFFFFF  }
0x99: {  	s20 =	sld [smem:$0x3FDB];
	_ =	sdelay $0x1  }
0x9a: {  	s5 =	simm.s32 $_scs_section_size  }
0x9b: {  	s6 =	simm.s32 $_size__tile_overlayer_lowered;
	s7 =	simm.s32 $_tile_overlayer_lowered  }
0x9c: {  	s8 =	simm.s32 $0x1BFF;
	s21 =	sshll.u32 s7, $0x1;
	s5 =	sadd.s32 s5, s20  }
0x9d: {  	s22 =	simm.s32 $0x0;
	s6 =	sshll.u32 s6, $0x1;
	s7 =	sadd.s32 s21, s5  }
0x9e: {  	[timem:s22], [sflag:s8] =	dma.local [hbm:s7], s6  }
0x9f: {  	_ =	swait.ge [sflag:s8], s6  }
0xa0: {  	s6 =	ssub.s32 $0x0, s6;
	[sflag:s8] =	ssyncset.done $0x0  }
0xa1: {  	[sflag:s8] =	ssyncadd.s32 s6;
	_ =	sdelay $0x1  }
0xa2: {  	s23 =	simm.s32 $0x1B8B  }
0xa3: {  	_ =	swait.ge [sflag:s23], $0x1  }
0xa4: {  	[sflag:s23] =	ssyncset.done $0x0  }
0xa5: {  	[sflag:s23] =	ssyncadd.s32 $0xFFFFFFFF  }
0xa6: {  	s6 =	sld [smem:$0x0]  }
0xa7: {  	s7 =	sand.u32 $0xFFFFFFFE, s1  }
0xa8: {  	p0 =	sne.s32 s1, s7  }
0xa9: {  	s7 =	sshll.u32 @p0 s7, $0xE  }
0xaa: {  	s7 =	sadd.s32 @p0 $0x11B8D, s7;
	s8 =	sshll.u32 @p0 s6, $0x11  }
0xab: {  	s7 =	sor.u32 @p0 s8, s7  }
0xac: {  	[sflag:s7] =	ssyncadd.remote.s32 @p0 $0x1;
	_ =	sdelay $0x1  }
0xad: {  	s7 =	simm.s32 @p0 $0x1B8D  }
0xae: {  	_ =	swait.eq @p0 [sflag:s7], $0x1  }
0xaf: {  	[sflag:s7] =	ssyncadd.s32 @p0 $0xFFFFFFFF  }
0xb0: {  	s8 =	sshll.u32 @!p0 s1, $0xE  }
0xb1: {  	s8 =	sor.u32 @!p0 $0x4000, s8;
	s7 =	simm.s32 @!p0 $0x1B8D  }
0xb2: {  	s6 =	sshll.u32 @!p0 s6, $0x11;
	s8 =	sadd.s32 @!p0 $0x11B8D, s8;
	_ =	swait.eq @!p0 [sflag:s7], $0x1  }
0xb3: {  	s6 =	sor.u32 @!p0 s6, s8;
	[sflag:s7] =	ssyncadd.s32 @!p0 $0xFFFFFFFF  }
0xb4: {  	s25 =	simm.s32 $0x1B8E;
	s24 =	sld [smem:$0x3FFE];
	[sflag:s6] =	ssyncadd.remote.s32 @!p0 $0x1  }
0xb5: {  	s26 =	simm.s32 $execute0_lowered;
	[smem:$0x3FD2] =	sst s25  }
0xb6: {  	s7 =	sshll.u32 s26, $0x1;
	_ =	strace $0x8000004C;
	[dreg:$0x1] =	wrdreg $0xFFFFFFFF  }
0xb7: {  	s28 =	simm.s32 $_size_execute0_lowered;
	s5 =	sadd.s32 s5, s7;
	[dreg:$0x0] =	wrdreg $0x0  }
0xb8: {  	s7 =	sshll.u32 s28, $0x1;
	[dreg:$0x2] =	wrdreg s5  }
0xb9: {  	[dreg:$0x3] =	wrdreg s7  }
0xba: {  	[dreg:$0x4] =	wrdreg $0xC0  }
0xbb: {  	_ =	task [dreg:s22], $0x5FFFF  }
0xbc: {  	[dreg:$0x1] =	wrdreg $0xFFFFFFFF  }
0xbd: {  	[dreg:$0x0] =	wrdreg $0x60  }
0xbe: {  	[dreg:$0x2] =	wrdreg s4  }
0xbf: {  	[dreg:$0x3] =	wrdreg s18  }
0xc0: {  	[dreg:$0x4] =	wrdreg s24  }
0xc1: {  	[dreg:$0x5] =	wrdreg $0xB  }
0xc2: {  	_ =	task.clear_ibuf [dreg:s22], $0x6FFFF;
	_ =	strace $0x9000004C  }
0xc3: {  	s29 =	simm.s32 $0xB;
	_ =	strace $0x8000004E  }
0xc4: {  	_ =	swait.ge [sflag:s29], $0x1  }
0xc5: {  	[sflag:s29] =	ssyncadd.s32 $0xFFFFFFFF  }
0xc6: {  	_ =	strace $0x9000004E  }
0xc7: {  	_ =	sfence  }
0xc8: {  	s30 =	sld [smem:$0x0];
	_ =	sdelay $0x2  }
0xc9: {  	s31 =	sshll.u32 s1, $0xD;
	s1 =	sshrl.u32 s1, $0x2  }
0xca: {  	s4 =	sand.u32 $0x4000, s31;
	s1 =	sadd.s32 s1, s30  }
0xcb: {  	s0 =	sor.u32 s4, s0;
	s1 =	sshll.u32 s1, $0x11  }
0xcc: {  	s0 =	sor.u32 s1, s0  }
0xcd: {  	s0 =	sadd.s32 $0x8F2B, s0  }
0xce: {  	[sflag:s0] =	ssyncadd.remote.s32 $0x1  }
0xcf: {  	_ =	sfence.sel $0xFFFF  }
0xd0: {  	[dreg:$0x0] =	wrdreg $0xFFFFFFFF;
	(pc) =	sbr.abs _section_cstart, $3  }
0xd1: {  	[dreg:$0x1] =	wrdreg $0xFFFFFFFF  }
0xd2: {  	_ =	task.clear_ibuf [dreg:s22], $0x2FFFF;
	_ =	strace $0x9FFFFFFF  }
0xd3: {  	(tm) =	ssettm $0x7FFFFFFF  }
tec
execute0_lowered:
.L_overlay_start_1:
0x0: {  	(tag) =	ssettag $0x1  }
0x1: {  	s1 =	rddreg [dreg:$0x0]  }
0x2: {  	s4 =	rddreg [dreg:$0x1]  }
0x3: {  	s5 =	rddreg [dreg:$0x2];
	s3 =	simm.s32 $0x0  }
0x4: {  	s22 =	simm.s32 $0x880;
	[smem:$0x7FF] =	sst s3  }
0x5: {  	s23 =	simm.s32 $0x1080;
	_ =	strace $0x8000004D;
	[dreg:$0x7] =	wrdreg s22  }
0x6: {  	s24 =	simm.s32 $0x1880;
	[dreg:$0x8] =	wrdreg s23  }
0x7: {  	s25 =	simm.s32 $0x2080;
	[dreg:$0x9] =	wrdreg s24  }
0x8: {  	s0 =	stileid.u32;
	s26 =	simm.s32 $0x2880;
	[dreg:$0xa] =	wrdreg s25  }
0x9: {  	s6 =	sshll.u32 s0, $0x5;
	s0 =	simm.s32 $0x3080;
	[dreg:$0xb] =	wrdreg s26  }
0xa: {  	s8 =	simm.s32 $0x5080;
	[dreg:$0xc] =	wrdreg s0  }
0xb: {  	s9 =	simm.s32 $0x5880;
	[dreg:$0x10] =	wrdreg s8  }
0xc: {  	s10 =	simm.s32 $0x6080;
	[dreg:$0x11] =	wrdreg s9  }
0xd: {  	s11 =	simm.s32 $0x6880;
	[dreg:$0x12] =	wrdreg s10  }
0xe: {  	s2 =	srdreg.scid;
	s12 =	simm.s32 $0x7080;
	[dreg:$0x13] =	wrdreg s11  }
0xf: {  	s13 =	simm.s32 $0x7880;
	s14 =	simm.s32 $0x8080;
	[dreg:$0x14] =	wrdreg s12  }
0x10: {  	s15 =	simm.s32 $0x8880;
	s16 =	simm.s32 $0x9080;
	[dreg:$0x15] =	wrdreg s13  }
0x11: {  	s17 =	simm.s32 $0x9880;
	s18 =	simm.s32 $0xA080;
	[dreg:$0x16] =	wrdreg s14  }
0x12: {  	s28 =	simm.s32 $0x16880;
	s29 =	simm.s32 $0x17080;
	[dreg:$0x17] =	wrdreg s15  }
0x13: {  	s30 =	simm.s32 $0x17880;
	s31 =	simm.s32 $0x2;
	[dreg:$0x18] =	wrdreg s16  }
0x14: {  	s2 =	sand.u32 $0x1, s2;
	s5 =	sadd.s32 $0xC1600, s5;
	[dreg:$0x19] =	wrdreg s17  }
0x15: {  	s7 =	sshll.u32 s2, $0x4;
	s2 =	ssub.s32 $0x2, s2;
	[dreg:$0x1a] =	wrdreg s18  }
0x16: {  	s22 =	simm.s32 $0xB880;
	s23 =	simm.s32 $0xC880;
	s24 =	simm.s32 $0xD080  }
0x17: {  	s25 =	simm.s32 $0xD880;
	s8 =	simm.s32 $0x80;
	s26 =	simm.s32 $0xE080  }
0x18: {  	s9 =	simm.s32 $0x1;
	s10 =	simm.s32 $0xC080;
	s12 =	simm.s32 $0xF080  }
0x19: {  	s13 =	simm.s32 $0xF880;
	s14 =	simm.s32 $0x10080;
	[dreg:$0x1d] =	wrdreg s22  }
0x1a: {  	s15 =	simm.s32 $0x10880;
	s16 =	simm.s32 $0x11080;
	[dreg:$0x1e] =	wrdreg s23  }
0x1b: {  	s17 =	simm.s32 $0x11880;
	s18 =	simm.s32 $0x12080;
	[dreg:$0x1f] =	wrdreg s24  }
0x1c: {  	s6 =	sor.u32 s7, s6;
	s19 =	sshrl.u32 s2, $0x1;
	[smem:$0x7FC] =	sst s25  }
0x1d: {  	[smem:$0x7FD] =	sst s26;
	s22 =	simm.s32 $0x14080;
	s23 =	simm.s32 $0x14880  }
0x1e: {  	s24 =	simm.s32 $0x15080;
	s25 =	simm.s32 $0x15880;
	s7 =	smul.u32 $0x1800, s6  }
0x1f: {  	s26 =	simm.s32 $0x16080;
	s4 =	sadd.s32 s6, s4;
	s6 =	smul.u32 $0x300, s6  }
0x20: {  	s2 =	ssub.s32 s2, s19;
	s19 =	simm.s32 $0x12880;
	s4 =	sadd.s32 $0x400, s4  }
0x21: {  	s7 =	sshrl.u32 s7, $0x3;
	[dreg:$0x4] =	wrdreg s4;
	s20 =	sadd.s32 s5, s6  }
0x22: {  	s6 =	simm.s32 $0x4080;
	s4 =	sadd.s32 $0x100, s1;
	[dreg:$0x5] =	wrdreg s20  }
0x23: {  	s5 =	sadd.s32 s5, s7;
	[dreg:$0xe] =	wrdreg s6;
	s7 =	simm.s32 $0x4880  }
0x24: {  	s20 =	simm.s32 $0xA880;
	s6 =	smax.u32 s2, $0x1;
	[dreg:$0xf] =	wrdreg s7  }
0x25: {  	s2 =	simm.s32 $0x3;
	s21 =	sadd.s32 $0x1800, s5;
	[dreg:$0x1b] =	wrdreg s20  }
0x26: {  	v2 =	vlaneseq.u32;
	s5 =	simm.s32 $0x3880;
	s7 =	simm.s32 $0x4;
	[dreg:$0x6] =	wrdreg s21  }
0x27: {  	vm0 =	vmmov $0xffff;
	v1 =	vshrl.u32 v2, $0x3;
	s20 =	simm.s32 $0x13080;
	[dreg:$0xd] =	wrdreg s5;
	s21 =	simm.s32 $0xB080  }
0x28: {  	v0 =	vand.u32 $0x7, v2;
	v2 =	vor.u32 $0x8, v2;
	v1 =	vmul.u32 $0x8, v1;
	s5 =	sadd.s32 $0x200, s1;
	[dreg:$0x1c] =	wrdreg s21;
	s21 =	simm.s32 $0x13880  }
.LBB2_1:
0x29: {  	s0 =	rddreg [dreg:$0x4]  }
0x2a: {  	[tilespmem:s3], [sflag:$0x4] =	stream.linear.gather [hbm4b:s0+s3], $0x80, $0x38;
	[tilespmem:$0x18080] =	vst v63  }
0x2b: {  	_ =	swait.ge [sflag:s7], $0x80  }
0x2c: {  	[sflag:s7] =	ssyncset.done $0x0  }
0x2d: {  	[sflag:s7] =	ssyncadd.s32 $0xFFFFFF80  }
0x2e: {  	v3 =	vld [tilespmem:$0x0];
	_ =	sdelay $0x4  }
0x2f: {  	v4 =	vshrl.u32 v3, $0x3  }
0x30: {  	v4 =	vmul.u32 $0x30, v4  }
0x31: {  	v3 =	vand.u32 $0x7, v3  }
0x32: {  	v3 =	vor.u32 v3, v4  }
0x33: {  	v4 =	vperm.xlane v3, v0;
	_ =	sdelay $0x1  }
0x34: {  	v4 =	vadd.s32 v1, v4;
	_ =	sdelay $0x3  }
0x35: {  	v3 =	vperm.xlane v3, v2  }
0x36: {  	[tilespmem:s8], [sflag:$0x1] =	stream.indirect_vreg.gather [hbm4b:s1+s3], $0x80, v4, vm0, $0xb8;
	[tilespmem:$0x18080] =	vst v63  }
0x37: {  	s0 =	rddreg [dreg:$0x7];
	v3 =	vadd.s32 v1, v3  }
0x38: {  	[tilespmem:s0], [sflag:$0x1] =	stream.indirect_vreg.gather [hbm4b:s4+s3], $0x80, v4, vm0, $0xb8;
	[tilespmem:$0x18080] =	vst v63  }
0x39: {  	s11 =	rddreg [dreg:$0x8]  }
0x3a: {  	[tilespmem:s11], [sflag:$0x1] =	stream.indirect_vreg.gather [hbm4b:s5+s3], $0x80, v4, vm0, $0xb8;
	[tilespmem:$0x18080] =	vst v63  }
0x3b: {  	s0 =	rddreg [dreg:$0x9]  }
0x3c: {  	[tilespmem:s0], [sflag:$0x1] =	stream.indirect_vreg.gather [hbm4b:s1+s3], $0x80, v3, vm0, $0xb8;
	[tilespmem:$0x18080] =	vst v63  }
0x3d: {  	s11 =	rddreg [dreg:$0xa]  }
0x3e: {  	[tilespmem:s11], [sflag:$0x1] =	stream.indirect_vreg.gather [hbm4b:s4+s3], $0x80, v3, vm0, $0xb8;
	[tilespmem:$0x18080] =	vst v63  }
0x3f: {  	s0 =	rddreg [dreg:$0xb]  }
0x40: {  	[tilespmem:s0], [sflag:$0x1] =	stream.indirect_vreg.gather [hbm4b:s5+s3], $0x80, v3, vm0, $0xb8;
	[tilespmem:$0x18080] =	vst v63  }
0x41: {  	v3 =	vld [tilespmem:$0x10];
	_ =	sdelay $0x4  }
0x42: {  	v57 =	vshrl.u32 v3, $0x3  }
0x43: {  	v4 =	vmul.u32 $0x30, v57  }
0x44: {  	v3 =	vand.u32 $0x7, v3  }
0x45: {  	v3 =	vor.u32 v3, v4  }
0x46: {  	v4 =	vperm.xlane v3, v0;
	_ =	sdelay $0x1  }
0x47: {  	v4 =	vadd.s32 v1, v4;
	_ =	sdelay $0x3  }
0x48: {  	s0 =	rddreg [dreg:$0xc];
	v3 =	vperm.xlane v3, v2  }
0x49: {  	[tilespmem:s0], [sflag:$0x1] =	stream.indirect_vreg.gather [hbm4b:s1+s3], $0x80, v4, vm0, $0xb8;
	[tilespmem:$0x18080] =	vst v63  }
0x4a: {  	s11 =	rddreg [dreg:$0xd];
	v3 =	vadd.s32 v1, v3  }
0x4b: {  	[tilespmem:s11], [sflag:$0x1] =	stream.indirect_vreg.gather [hbm4b:s4+s3], $0x80, v4, vm0, $0xb8;
	[tilespmem:$0x18080] =	vst v63  }
0x4c: {  	s0 =	rddreg [dreg:$0xe]  }
0x4d: {  	[tilespmem:s0], [sflag:$0x1] =	stream.indirect_vreg.gather [hbm4b:s5+s3], $0x80, v4, vm0, $0xb8;
	[tilespmem:$0x18080] =	vst v63  }
0x4e: {  	s11 =	rddreg [dreg:$0xf]  }
0x4f: {  	[tilespmem:s11], [sflag:$0x1] =	stream.indirect_vreg.gather [hbm4b:s1+s3], $0x80, v3, vm0, $0xb8;
	[tilespmem:$0x18080] =	vst v63  }
0x50: {  	s0 =	rddreg [dreg:$0x10]  }
0x51: {  	[tilespmem:s0], [sflag:$0x1] =	stream.indirect_vreg.gather [hbm4b:s4+s3], $0x80, v3, vm0, $0xb8;
	[tilespmem:$0x18080] =	vst v63  }
0x52: {  	s11 =	rddreg [dreg:$0x11]  }
0x53: {  	[tilespmem:s11], [sflag:$0x1] =	stream.indirect_vreg.gather [hbm4b:s5+s3], $0x80, v3, vm0, $0xb8;
	[tilespmem:$0x18080] =	vst v63  }
0x54: {  	v3 =	vld [tilespmem:$0x20];
	_ =	sdelay $0x4  }
0x55: {  	v58 =	vshrl.u32 v3, $0x3  }
0x56: {  	v4 =	vmul.u32 $0x30, v58  }
0x57: {  	v3 =	vand.u32 $0x7, v3  }
0x58: {  	v3 =	vor.u32 v3, v4  }
0x59: {  	v4 =	vperm.xlane v3, v0;
	_ =	sdelay $0x1  }
0x5a: {  	v4 =	vadd.s32 v1, v4;
	_ =	sdelay $0x3  }
0x5b: {  	s0 =	rddreg [dreg:$0x12];
	v3 =	vperm.xlane v3, v2  }
0x5c: {  	[tilespmem:s0], [sflag:$0x1] =	stream.indirect_vreg.gather [hbm4b:s1+s3], $0x80, v4, vm0, $0xb8;
	[tilespmem:$0x18080] =	vst v63  }
0x5d: {  	s11 =	rddreg [dreg:$0x13];
	v3 =	vadd.s32 v1, v3  }
0x5e: {  	[tilespmem:s11], [sflag:$0x1] =	stream.indirect_vreg.gather [hbm4b:s4+s3], $0x80, v4, vm0, $0xb8;
	[tilespmem:$0x18080] =	vst v63  }
0x5f: {  	s0 =	rddreg [dreg:$0x14]  }
0x60: {  	[tilespmem:s0], [sflag:$0x1] =	stream.indirect_vreg.gather [hbm4b:s5+s3], $0x80, v4, vm0, $0xb8;
	[tilespmem:$0x18080] =	vst v63  }
0x61: {  	s11 =	rddreg [dreg:$0x15]  }
0x62: {  	[tilespmem:s11], [sflag:$0x1] =	stream.indirect_vreg.gather [hbm4b:s1+s3], $0x80, v3, vm0, $0xb8;
	[tilespmem:$0x18080] =	vst v63  }
0x63: {  	s0 =	rddreg [dreg:$0x16]  }
0x64: {  	[tilespmem:s0], [sflag:$0x1] =	stream.indirect_vreg.gather [hbm4b:s4+s3], $0x80, v3, vm0, $0xb8;
	[tilespmem:$0x18080] =	vst v63  }
0x65: {  	s11 =	rddreg [dreg:$0x17]  }
0x66: {  	[tilespmem:s11], [sflag:$0x1] =	stream.indirect_vreg.gather [hbm4b:s5+s3], $0x80, v3, vm0, $0xb8;
	[tilespmem:$0x18080] =	vst v63  }
0x67: {  	v3 =	vld [tilespmem:$0x30];
	_ =	sdelay $0x4  }
0x68: {  	v59 =	vshrl.u32 v3, $0x3  }
0x69: {  	v4 =	vmul.u32 $0x30, v59  }
0x6a: {  	v3 =	vand.u32 $0x7, v3  }
0x6b: {  	v3 =	vor.u32 v3, v4  }
0x6c: {  	v4 =	vperm.xlane v3, v0;
	_ =	sdelay $0x1  }
0x6d: {  	v4 =	vadd.s32 v1, v4;
	_ =	sdelay $0x3  }
0x6e: {  	s0 =	rddreg [dreg:$0x18];
	v3 =	vperm.xlane v3, v2  }
0x6f: {  	[tilespmem:s0], [sflag:$0x1] =	stream.indirect_vreg.gather [hbm4b:s1+s3], $0x80, v4, vm0, $0xb8;
	[tilespmem:$0x18080] =	vst v63  }
0x70: {  	s11 =	rddreg [dreg:$0x19];
	v3 =	vadd.s32 v1, v3  }
0x71: {  	[tilespmem:s11], [sflag:$0x1] =	stream.indirect_vreg.gather [hbm4b:s4+s3], $0x80, v4, vm0, $0xb8;
	[tilespmem:$0x18080] =	vst v63  }
0x72: {  	s0 =	rddreg [dreg:$0x1a]  }
0x73: {  	[tilespmem:s0], [sflag:$0x1] =	stream.indirect_vreg.gather [hbm4b:s5+s3], $0x80, v4, vm0, $0xb8;
	[tilespmem:$0x18080] =	vst v63  }
0x74: {  	s11 =	rddreg [dreg:$0x1b]  }
0x75: {  	[tilespmem:s11], [sflag:$0x1] =	stream.indirect_vreg.gather [hbm4b:s1+s3], $0x80, v3, vm0, $0xb8;
	[tilespmem:$0x18080] =	vst v63  }
0x76: {  	s0 =	rddreg [dreg:$0x1c]  }
0x77: {  	[tilespmem:s0], [sflag:$0x1] =	stream.indirect_vreg.gather [hbm4b:s4+s3], $0x80, v3, vm0, $0xb8;
	[tilespmem:$0x18080] =	vst v63  }
0x78: {  	s11 =	rddreg [dreg:$0x1d]  }
0x79: {  	[tilespmem:s11], [sflag:$0x1] =	stream.indirect_vreg.gather [hbm4b:s5+s3], $0x80, v3, vm0, $0xb8;
	[tilespmem:$0x18080] =	vst v63  }
0x7a: {  	_ =	swait.ge [sflag:s9], $0xC000  }
0x7b: {  	[sflag:s9] =	ssyncset.done $0x0  }
0x7c: {  	[sflag:s9] =	ssyncadd.s32 $0xFFFF4000  }
0x7d: {  	v3 =	vld [tilespmem:$0x40];
	_ =	sdelay $0x4  }
0x7e: {  	v60 =	vshrl.u32 v3, $0x3  }
0x7f: {  	v4 =	vmul.u32 $0x30, v60  }
0x80: {  	v3 =	vand.u32 $0x7, v3  }
0x81: {  	v3 =	vor.u32 v3, v4  }
0x82: {  	v4 =	vperm.xlane v3, v0;
	_ =	sdelay $0x1  }
0x83: {  	v4 =	vadd.s32 v1, v4;
	_ =	sdelay $0x3  }
0x84: {  	s0 =	rddreg [dreg:$0x1e];
	v3 =	vperm.xlane v3, v2  }
0x85: {  	[tilespmem:s10], [sflag:$0x1] =	stream.indirect_vreg.gather [hbm4b:s1+s3], $0x80, v4, vm0, $0xb8;
	[tilespmem:$0x18080] =	vst v63  }
0x86: {  	s11 =	rddreg [dreg:$0x1f];
	v3 =	vadd.s32 v1, v3  }
0x87: {  	[tilespmem:s0], [sflag:$0x1] =	stream.indirect_vreg.gather [hbm4b:s4+s3], $0x80, v4, vm0, $0xb8;
	[tilespmem:$0x18080] =	vst v63  }
0x88: {  	s0 =	sld [smem:$0x7FC]  }
0x89: {  	[tilespmem:s11], [sflag:$0x1] =	stream.indirect_vreg.gather [hbm4b:s5+s3], $0x80, v4, vm0, $0xb8;
	[tilespmem:$0x18080] =	vst v63  }
0x8a: {  	s11 =	sld [smem:$0x7FD]  }
0x8b: {  	[tilespmem:s0], [sflag:$0x1] =	stream.indirect_vreg.gather [hbm4b:s1+s3], $0x80, v3, vm0, $0xb8;
	[tilespmem:$0x18080] =	vst v63  }
0x8c: {  	_ = 	snop  }
0x8d: {  	[tilespmem:s11], [sflag:$0x1] =	stream.indirect_vreg.gather [hbm4b:s4+s3], $0x80, v3, vm0, $0xb8;
	[tilespmem:$0x18080] =	vst v63  }
0x8e: {  	s11 =	simm.s32 $0xE880  }
0x8f: {  	[tilespmem:s11], [sflag:$0x1] =	stream.indirect_vreg.gather [hbm4b:s5+s3], $0x80, v3, vm0, $0xb8;
	[tilespmem:$0x18080] =	vst v63  }
0x90: {  	v3 =	vld [tilespmem:$0x50];
	_ =	sdelay $0x4  }
0x91: {  	v61 =	vshrl.u32 v3, $0x3  }
0x92: {  	v4 =	vmul.u32 $0x30, v61  }
0x93: {  	v3 =	vand.u32 $0x7, v3  }
0x94: {  	v3 =	vor.u32 v3, v4  }
0x95: {  	v4 =	vperm.xlane v3, v0;
	_ =	sdelay $0x1  }
0x96: {  	v4 =	vadd.s32 v1, v4;
	_ =	sdelay $0x3  }
0x97: {  	v3 =	vperm.xlane v3, v2  }
0x98: {  	[tilespmem:s12], [sflag:$0x1] =	stream.indirect_vreg.gather [hbm4b:s1+s3], $0x80, v4, vm0, $0xb8;
	[tilespmem:$0x18080] =	vst v63  }
0x99: {  	v3 =	vadd.s32 v1, v3  }
0x9a: {  	[tilespmem:s13], [sflag:$0x1] =	stream.indirect_vreg.gather [hbm4b:s4+s3], $0x80, v4, vm0, $0xb8;
	[tilespmem:$0x18080] =	vst v63  }
0x9b: {  	_ = 	snop  }
0x9c: {  	[tilespmem:s14], [sflag:$0x1] =	stream.indirect_vreg.gather [hbm4b:s5+s3], $0x80, v4, vm0, $0xb8;
	[tilespmem:$0x18080] =	vst v63  }
0x9d: {  	_ = 	snop  }
0x9e: {  	[tilespmem:s15], [sflag:$0x1] =	stream.indirect_vreg.gather [hbm4b:s1+s3], $0x80, v3, vm0, $0xb8;
	[tilespmem:$0x18080] =	vst v63  }
0x9f: {  	_ = 	snop  }
0xa0: {  	[tilespmem:s16], [sflag:$0x1] =	stream.indirect_vreg.gather [hbm4b:s4+s3], $0x80, v3, vm0, $0xb8;
	[tilespmem:$0x18080] =	vst v63  }
0xa1: {  	_ = 	snop  }
0xa2: {  	[tilespmem:s17], [sflag:$0x1] =	stream.indirect_vreg.gather [hbm4b:s5+s3], $0x80, v3, vm0, $0xb8;
	[tilespmem:$0x18080] =	vst v63  }
0xa3: {  	v3 =	vld [tilespmem:$0x60];
	_ =	sdelay $0x4  }
0xa4: {  	v62 =	vshrl.u32 v3, $0x3  }
0xa5: {  	v4 =	vmul.u32 $0x30, v62  }
0xa6: {  	v3 =	vand.u32 $0x7, v3  }
0xa7: {  	v3 =	vor.u32 v3, v4  }
0xa8: {  	v4 =	vperm.xlane v3, v0;
	_ =	sdelay $0x1  }
0xa9: {  	v4 =	vadd.s32 v1, v4;
	_ =	sdelay $0x3  }
0xaa: {  	v3 =	vperm.xlane v3, v2  }
0xab: {  	[tilespmem:s18], [sflag:$0x1] =	stream.indirect_vreg.gather [hbm4b:s1+s3], $0x80, v4, vm0, $0xb8;
	[tilespmem:$0x18080] =	vst v63  }
0xac: {  	v3 =	vadd.s32 v1, v3  }
0xad: {  	[tilespmem:s19], [sflag:$0x1] =	stream.indirect_vreg.gather [hbm4b:s4+s3], $0x80, v4, vm0, $0xb8;
	[tilespmem:$0x18080] =	vst v63  }
0xae: {  	_ = 	snop  }
0xaf: {  	[tilespmem:s20], [sflag:$0x1] =	stream.indirect_vreg.gather [hbm4b:s5+s3], $0x80, v4, vm0, $0xb8;
	[tilespmem:$0x18080] =	vst v63  }
0xb0: {  	_ = 	snop  }
0xb1: {  	[tilespmem:s21], [sflag:$0x1] =	stream.indirect_vreg.gather [hbm4b:s1+s3], $0x80, v3, vm0, $0xb8;
	[tilespmem:$0x18080] =	vst v63  }
0xb2: {  	_ = 	snop  }
0xb3: {  	[tilespmem:s22], [sflag:$0x1] =	stream.indirect_vreg.gather [hbm4b:s4+s3], $0x80, v3, vm0, $0xb8;
	[tilespmem:$0x18080] =	vst v63  }
0xb4: {  	_ = 	snop  }
0xb5: {  	[tilespmem:s23], [sflag:$0x1] =	stream.indirect_vreg.gather [hbm4b:s5+s3], $0x80, v3, vm0, $0xb8;
	[tilespmem:$0x18080] =	vst v63  }
0xb6: {  	v3 =	vld [tilespmem:$0x70];
	_ =	sdelay $0x4  }
0xb7: {  	v63 =	vshrl.u32 v3, $0x3  }
0xb8: {  	v4 =	vmul.u32 $0x30, v63  }
0xb9: {  	v3 =	vand.u32 $0x7, v3  }
0xba: {  	v3 =	vor.u32 v3, v4  }
0xbb: {  	v4 =	vperm.xlane v3, v0;
	_ =	sdelay $0x1  }
0xbc: {  	v4 =	vadd.s32 v1, v4;
	_ =	sdelay $0x3  }
0xbd: {  	v3 =	vperm.xlane v3, v2  }
0xbe: {  	[tilespmem:s24], [sflag:$0x1] =	stream.indirect_vreg.gather [hbm4b:s1+s3], $0x80, v4, vm0, $0xb8;
	[tilespmem:$0x18080] =	vst v63  }
0xbf: {  	v3 =	vadd.s32 v1, v3  }
0xc0: {  	[tilespmem:s25], [sflag:$0x1] =	stream.indirect_vreg.gather [hbm4b:s4+s3], $0x80, v4, vm0, $0xb8;
	[tilespmem:$0x18080] =	vst v63  }
0xc1: {  	_ = 	snop  }
0xc2: {  	[tilespmem:s26], [sflag:$0x1] =	stream.indirect_vreg.gather [hbm4b:s5+s3], $0x80, v4, vm0, $0xb8;
	[tilespmem:$0x18080] =	vst v63  }
0xc3: {  	_ = 	snop  }
0xc4: {  	[tilespmem:s28], [sflag:$0x1] =	stream.indirect_vreg.gather [hbm4b:s1+s3], $0x80, v3, vm0, $0xb8;
	[tilespmem:$0x18080] =	vst v63  }
0xc5: {  	_ = 	snop  }
0xc6: {  	[tilespmem:s29], [sflag:$0x1] =	stream.indirect_vreg.gather [hbm4b:s4+s3], $0x80, v3, vm0, $0xb8;
	[tilespmem:$0x18080] =	vst v63  }
0xc7: {  	_ = 	snop  }
0xc8: {  	[tilespmem:s30], [sflag:$0x1] =	stream.indirect_vreg.gather [hbm4b:s5+s3], $0x80, v3, vm0, $0xb8;
	[tilespmem:$0x18080] =	vst v63  }
0xc9: {  	s11 =	rddreg [dreg:$0x5]  }
0xca: {  	[hbm4b:s11+s3] =	stream.linear.scatter [tilespmem:s8], [sflag:$0x2], $0xC000, $0x38;
	[tilespmem:$0x18080] =	vst v63  }
0xcb: {  	_ =	swait.ge [sflag:s9], $0xC000  }
0xcc: {  	[sflag:s9] =	ssyncset.done $0x0  }
0xcd: {  	s11 =	rddreg [dreg:$0x6];
	[sflag:s9] =	ssyncadd.s32 $0xFFFF4000  }
0xce: {  	[hbm4b:s11+s3] =	stream.linear.scatter [tilespmem:s10], [sflag:$0x3], $0xC000, $0x38;
	[tilespmem:$0x18080] =	vst v63  }
0xcf: {  	p0 =	sne.s32 s6, $0x1;
	_ =	swait.ge [sflag:s31], $0xC000  }
.Ltmp0:
0xd0: {  	[sflag:s31] =	ssyncset.done $0x0;
	(pc) =	sbr.rel @p0 .LBB2_1-.Ltmp0, $4  }
0xd1: {  	[sflag:s31] =	ssyncadd.s32 $0xFFFF4000  }
0xd2: {  	_ =	swait.ge [sflag:s2], $0xC000  }
0xd3: {  	[sflag:s2] =	ssyncset.done $0x0  }
0xd4: {  	s6 =	sadd.s32 $0xFFFFFFFF, s6;
	[sflag:s2] =	ssyncadd.s32 $0xFFFF4000  }
0xd5: {  	_ =	sfence.sel $0x180000  }
0xd6: {  	[bflag:$0x0] =	sbarrier.arrive $0xFFFF  }
0xd7: {  	_ =	strace $0x9000004D  }
0xd8: {  	s0 =	stileid.u32;
	[bflag:$0x2] =	sbarrier.arrive $0xFFFF  }
0xd9: {  	p0 =	sne.s32 s0, $0x0;
	s0 =	rddreg [dreg:$0x3]  }
0xda: {  	s0 =	sadd.s32 @!p0 $0x100000, s0  }
0xdb: {  	[sflag:s0] =	ssyncadd.tile.s32 @!p0 $0x1;
	_ =	shalt  }
.Lfunc_end2:
_tile_overlayer_lowered:
.L_overlay_start_2:
0xdc: {  	(tag) =	ssettag $0x2  }
0xdd: {  	s0 =	rddreg [dreg:$0x0];
	s2 =	stileid.u32  }
0xde: {  	s1 =	rddreg [dreg:$0x1];
	p0 =	sne.s32 s2, $0x0  }
0xdf: {  	s3 =	rddreg [dreg:$0x2];
	[bflag:$0x3] =	sbarrier.arrive $0xFFFF;
	s2 =	simm.s32 @!p0 $0x1C04  }
0xe0: {  	[timem:s3], [sflag:s2] =	dma.local @!p0 [hbm:s0], s1  }
0xe1: {  	s0 =	simm.s32 @!p0 $0x4  }
0xe2: {  	_ =	swait.ge @!p0 [sflag:s0], s1  }
0xe3: {  	s1 =	ssub.s32 @!p0 $0x0, s1;
	[sflag:s0] =	ssyncset.done @!p0 $0x0  }
0xe4: {  	[sflag:s0] =	ssyncadd.s32 @!p0 s1  }
0xe5: {  	[bflag:$0x3] =	sbarrier.arrive $0xFFFF  }
0xe6: {  	_ =	shalt  }

// kernel: kernel.19.cloned.1.call-start
scs
__scs_entry_jumppad:
0x0: {  	(pc) =	sbr.rel $0x88, $3  }
0x1: {  	(tag) =	ssettag $0x0;
	lr =	simm.s32 $0x1  }
0x2: {  	[smem:$0x3F9C] =	sst lr;
	_ =	strace $0xD0000000  }
0x3: {  	_ = 	snop  }
0x4: {  	_ = 	snop  }
0x5: {  	_ = 	snop  }
0x6: {  	_ = 	snop  }
0x7: {  	_ = 	snop  }
__scs_overlays_trampoline_lowered:
0x8: {  	[smem:$0x3FAB] =	sst s0  }
0x9: {  	[smem:$0x3FAC] =	sst s1  }
0xa: {  	[smem:$0x3FAD] =	sst s2  }
0xb: {  	[smem:$0x3FAE] =	sst s3  }
0xc: {  	[smem:$0x3FAF] =	sst s4  }
0xd: {  	[smem:$0x3FB0] =	sst s5  }
0xe: {  	[smem:$0x3FB1] =	sst s6  }
0xf: {  	[smem:$0x3FB2] =	sst s7  }
0x10: {  	[smem:$0x3FB3] =	sst s8  }
0x11: {  	[smem:$0x3FB4] =	sst s9;
	s0 =	simm.s32 @!p0 $0x0  }
0x12: {  	s1 =	sld [smem:$0x3F9A];
	s0 =	simm.s32 @p0 $0x1  }
0x13: {  	[smem:$0x3FB5] =	sst s0;
	s0 =	simm.s32 @!p1 $0x0  }
0x14: {  	s2 =	sld [smem:$0x3F99];
	s0 =	simm.s32 @p1 $0x1  }
0x15: {  	[smem:$0x3FB6] =	sst s0;
	s0 =	simm.s32 @!p2 $0x0  }
0x16: {  	s3 =	sld [smem:$0x3FDB];
	s0 =	simm.s32 @p2 $0x1  }
0x17: {  	s4 =	simm.s32 $0x1BF5;
	[smem:$0x3FB8] =	sst s0  }
0x18: {  	s0 =	sld [smem:$0x3F9B];
	_ =	swait.ge [sflag:s4], $0x0  }
0x19: {  	s7 =	sld [smem:$0x3F9C]  }
0x1a: {  	s8 =	sadd.s32 $0xFFFFE003, lr  }
0x1b: {  	s9 =	sadd.s32 $0xFFFFFEF7, lr;
	s5 =	simm.s32 $0xFFFFFFFF;
	p2 =	slt.u32 s8, $0xFFFFF086  }
0x1c: {  	p1 =	slt.u32 s9, $0xF7A;
	s5 =	simm.s32 @!p2 $0x0  }
0x1d: {  	s5 =	simm.s32 @p1 $0x1;
	p0 =	seq.s32 s7, s2  }
0x1e: {  	s7 =	smul.u32 @!p0 $0xF7A, s2;
	p2 =	seq.s32 @!p0 s5, $0x0  }
0x1f: {  	s9 =	smul.u32 $0xF7A, s1;
	s8 =	simm.s32 @!p0 $0x1BF5;
	p2 =	por !p2, p0  }
0x20: {  	[sflag:s8] =	ssyncset.s32 @!p0 $0xFFFFF086;
	s6 =	sadd.s32 @!p0 s3, s7;
	s7 =	simm.s32 @!p0 $0x108  }
0x21: {  	s3 =	sadd.s32 s3, s9;
	s6 =	sadd.s32 @!p0 $0x88, s6;
	s7 =	simm.s32 @p2 $0x1082  }
0x22: {  	[simem:s7], [sflag:s8] =	dma.local @!p0 [hbm:s6], $0xF7A  }
0x23: {  	s9 =	sor.u32 $0xD0000000, s2;
	s6 =	simm.s32 $0x108;
	_ =	swait.ge @!p0 [sflag:s8], $0x0  }
0x24: {  	s3 =	sadd.s32 $0x88, s3;
	s6 =	simm.s32 @!p1 $0x1082;
	[sflag:s4] =	ssyncset.s32 $0xFFFFF086  }
0x25: {  	[simem:s6], [sflag:s4] =	dma.local [hbm:s3], $0xF7A  }
0x26: {  	[smem:$0x3F9C] =	sst s1;
	(tag) =	ssettag s2;
	_ =	strace s9  }
0x27: {  	s1 =	sld [smem:$0x3FAC]  }
0x28: {  	s2 =	sld [smem:$0x3FAD]  }
0x29: {  	s4 =	sld [smem:$0x3FAF]  }
0x2a: {  	p0 =	seq.s32 s5, $0x0;
	s5 =	sld [smem:$0x3FB0]  }
0x2b: {  	s6 =	sld [smem:$0x3FB1]  }
0x2c: {  	s7 =	sld [smem:$0x3FB2]  }
0x2d: {  	s3 =	simm.s32 $0x108;
	s8 =	sld [smem:$0x3FB3]  }
0x2e: {  	s3 =	simm.s32 @!p0 $0x1082;
	s9 =	sld [smem:$0x3FB4]  }
0x2f: {  	lr =	sadd.s32 s0, s3;
	s0 =	sld [smem:$0x3FAB]  }
0x30: {  	s3 =	sld [smem:$0x3FAE]  }
0x31: {  	[smem:$0x3FB7] =	sst s10  }
0x32: {  	s10 =	sld [smem:$0x3FB5];
	_ =	sdelay $0x3  }
0x33: {  	p0 =	seq.s32 s10, $0x1;
	s10 =	sld [smem:$0x3FB7];
	_ =	sdelay $0x3  }
0x34: {  	[smem:$0x3FB7] =	sst s10  }
0x35: {  	s10 =	sld [smem:$0x3FB6];
	_ =	sdelay $0x3  }
0x36: {  	p1 =	seq.s32 s10, $0x1;
	s10 =	sld [smem:$0x3FB7];
	_ =	sdelay $0x3  }
0x37: {  	[smem:$0x3FB7] =	sst s10  }
0x38: {  	s10 =	sld [smem:$0x3FB8]  }
0x39: {  	_ = 	snop;
	(pc) =	sbr.ind lr, $3  }
0x3a: {  	_ = 	snop  }
0x3b: {  	_ = 	snop  }
0x3c: {  	p2 =	seq.s32 s10, $0x1;
	s10 =	sld [smem:$0x3FB7]  }
0x3d: {  	_ =	shalt  }
0x3e: {  	_ =	shalt  }
0x3f: {  	_ =	shalt  }
0x40: {  	_ =	shalt  }
0x41: {  	_ =	shalt  }
0x42: {  	_ =	shalt  }
0x43: {  	_ =	shalt  }
0x44: {  	_ =	shalt  }
0x45: {  	_ =	shalt  }
0x46: {  	_ =	shalt  }
0x47: {  	_ =	shalt  }
0x48: {  	_ =	shalt  }
0x49: {  	_ =	shalt  }
0x4a: {  	_ =	shalt  }
0x4b: {  	_ =	shalt  }
0x4c: {  	_ =	shalt  }
0x4d: {  	_ =	shalt  }
0x4e: {  	_ =	shalt  }
0x4f: {  	_ =	shalt  }
0x50: {  	_ =	shalt  }
0x51: {  	_ =	shalt  }
0x52: {  	_ =	shalt  }
0x53: {  	_ =	shalt  }
0x54: {  	_ =	shalt  }
0x55: {  	_ =	shalt  }
0x56: {  	_ =	shalt  }
0x57: {  	_ =	shalt  }
0x58: {  	_ =	shalt  }
0x59: {  	_ =	shalt  }
0x5a: {  	_ =	shalt  }
0x5b: {  	_ =	shalt  }
0x5c: {  	_ =	shalt  }
0x5d: {  	_ =	shalt  }
0x5e: {  	_ =	shalt  }
0x5f: {  	_ =	shalt  }
0x60: {  	_ =	shalt  }
0x61: {  	_ =	shalt  }
0x62: {  	_ =	shalt  }
0x63: {  	_ =	shalt  }
0x64: {  	_ =	shalt  }
0x65: {  	_ =	shalt  }
0x66: {  	_ =	shalt  }
0x67: {  	_ =	shalt  }
0x68: {  	_ =	shalt  }
0x69: {  	_ =	shalt  }
0x6a: {  	_ =	shalt  }
0x6b: {  	_ =	shalt  }
0x6c: {  	_ =	shalt  }
0x6d: {  	_ =	shalt  }
0x6e: {  	_ =	shalt  }
0x6f: {  	_ =	shalt  }
0x70: {  	_ =	shalt  }
0x71: {  	_ =	shalt  }
0x72: {  	_ =	shalt  }
0x73: {  	_ =	shalt  }
0x74: {  	_ =	shalt  }
0x75: {  	_ =	shalt  }
0x76: {  	_ =	shalt  }
0x77: {  	_ =	shalt  }
0x78: {  	_ =	shalt  }
0x79: {  	_ =	shalt  }
0x7a: {  	_ =	shalt  }
0x7b: {  	_ =	shalt  }
0x7c: {  	_ =	shalt  }
0x7d: {  	_ =	shalt  }
0x7e: {  	_ =	shalt  }
0x7f: {  	_ =	shalt  }
0x80: {  	_ =	shalt  }
0x81: {  	_ =	shalt  }
0x82: {  	_ =	shalt  }
0x83: {  	_ =	shalt  }
0x84: {  	_ =	shalt  }
0x85: {  	_ =	shalt  }
0x86: {  	_ =	shalt  }
0x87: {  	_ =	shalt  }
.Lfunc_end0:
.L_simem_size_0:
called_computation.3_lowered:
.L_overlay_start_0:
0x88: {  	s2 =	sld [smem:$0x3FD9]  }
0x89: {  	s3 =	sld [smem:$0x3FFE];
	_ =	sdelay $0x1  }
0x8a: {  	s1 =	srdreg.scid  }
0x8b: {  	s0 =	sand.u32 $0x1, s1  }
0x8c: {  	s17 =	sshll.u32 s0, $0xA;
	s2 =	sadd.s32 s3, s2  }
0x8d: {  	s2 =	sadd.s32 s2, s17  }
0x8e: {  	[smem:$0x3FC3] =	sst s2  }
0x8f: {  	_ = 	snop  }
0x90: {  	s18 =	sld [smem:$0x3FC9]  }
0x91: {  	s4 =	sld [smem:$0x3FC7];
	(tm) =	ssettm $0x1  }
0x92: {  	s19 =	sld [smem:$0x3FFB];
	_ =	sdelay $0x3  }
0x93: {  	_ =	strace s19  }
0x94: {  	s2 =	sld [smem:$0x3FFC];
	_ =	sdelay $0x3  }
0x95: {  	_ =	strace s2  }
0x96: {  	s2 =	sld [smem:$0x3FFD];
	_ =	sdelay $0x3  }
0x97: {  	_ =	strace s2  }
0x98: {  	_ =	strace $0x8FFFFFFF  }
0x99: {  	s20 =	sld [smem:$0x3FDB];
	_ =	sdelay $0x1  }
0x9a: {  	s5 =	simm.s32 $_scs_section_size  }
0x9b: {  	s6 =	simm.s32 $_size__tile_overlayer_lowered;
	s7 =	simm.s32 $_tile_overlayer_lowered  }
0x9c: {  	s8 =	simm.s32 $0x1BFF;
	s21 =	sshll.u32 s7, $0x1;
	s5 =	sadd.s32 s5, s20  }
0x9d: {  	s22 =	simm.s32 $0x0;
	s6 =	sshll.u32 s6, $0x1;
	s7 =	sadd.s32 s21, s5  }
0x9e: {  	[timem:s22], [sflag:s8] =	dma.local [hbm:s7], s6  }
0x9f: {  	_ =	swait.ge [sflag:s8], s6  }
0xa0: {  	s6 =	ssub.s32 $0x0, s6;
	[sflag:s8] =	ssyncset.done $0x0  }
0xa1: {  	[sflag:s8] =	ssyncadd.s32 s6;
	_ =	sdelay $0x1  }
0xa2: {  	s23 =	simm.s32 $0x1B8B  }
0xa3: {  	_ =	swait.ge [sflag:s23], $0x1  }
0xa4: {  	[sflag:s23] =	ssyncset.done $0x0  }
0xa5: {  	[sflag:s23] =	ssyncadd.s32 $0xFFFFFFFF  }
0xa6: {  	s6 =	sld [smem:$0x0]  }
0xa7: {  	s7 =	sand.u32 $0xFFFFFFFE, s1  }
0xa8: {  	p0 =	sne.s32 s1, s7  }
0xa9: {  	s7 =	sshll.u32 @p0 s7, $0xE  }
0xaa: {  	s7 =	sadd.s32 @p0 $0x11B8D, s7;
	s8 =	sshll.u32 @p0 s6, $0x11  }
0xab: {  	s7 =	sor.u32 @p0 s8, s7  }
0xac: {  	[sflag:s7] =	ssyncadd.remote.s32 @p0 $0x1;
	_ =	sdelay $0x1  }
0xad: {  	s7 =	simm.s32 @p0 $0x1B8D  }
0xae: {  	_ =	swait.eq @p0 [sflag:s7], $0x1  }
0xaf: {  	[sflag:s7] =	ssyncadd.s32 @p0 $0xFFFFFFFF  }
0xb0: {  	s8 =	sshll.u32 @!p0 s1, $0xE  }
0xb1: {  	s8 =	sor.u32 @!p0 $0x4000, s8;
	s7 =	simm.s32 @!p0 $0x1B8D  }
0xb2: {  	s6 =	sshll.u32 @!p0 s6, $0x11;
	s8 =	sadd.s32 @!p0 $0x11B8D, s8;
	_ =	swait.eq @!p0 [sflag:s7], $0x1  }
0xb3: {  	s6 =	sor.u32 @!p0 s6, s8;
	[sflag:s7] =	ssyncadd.s32 @!p0 $0xFFFFFFFF  }
0xb4: {  	s25 =	simm.s32 $0x1B8E;
	s24 =	sld [smem:$0x3FFE];
	[sflag:s6] =	ssyncadd.remote.s32 @!p0 $0x1  }
0xb5: {  	s26 =	simm.s32 $execute0_lowered;
	[smem:$0x3FD2] =	sst s25  }
0xb6: {  	s7 =	sshll.u32 s26, $0x1;
	_ =	strace $0x8000004F;
	[dreg:$0x1] =	wrdreg $0xFFFFFFFF  }
0xb7: {  	s28 =	simm.s32 $_size_execute0_lowered;
	s5 =	sadd.s32 s5, s7;
	[dreg:$0x0] =	wrdreg $0x0  }
0xb8: {  	s7 =	sshll.u32 s28, $0x1;
	[dreg:$0x2] =	wrdreg s5  }
0xb9: {  	[dreg:$0x3] =	wrdreg s7  }
0xba: {  	[dreg:$0x4] =	wrdreg $0xC0  }
0xbb: {  	_ =	task [dreg:s22], $0x5FFFF  }
0xbc: {  	[dreg:$0x1] =	wrdreg $0xFFFFFFFF  }
0xbd: {  	[dreg:$0x0] =	wrdreg $0x60  }
0xbe: {  	[dreg:$0x2] =	wrdreg s4  }
0xbf: {  	[dreg:$0x3] =	wrdreg s18  }
0xc0: {  	[dreg:$0x4] =	wrdreg s24  }
0xc1: {  	[dreg:$0x5] =	wrdreg $0xC  }
0xc2: {  	_ =	task.clear_ibuf [dreg:s22], $0x6FFFF;
	_ =	strace $0x9000004F  }
0xc3: {  	s29 =	simm.s32 $0xC;
	_ =	strace $0x80000051  }
0xc4: {  	_ =	swait.ge [sflag:s29], $0x1  }
0xc5: {  	[sflag:s29] =	ssyncadd.s32 $0xFFFFFFFF  }
0xc6: {  	_ =	strace $0x90000051  }
0xc7: {  	_ =	sfence  }
0xc8: {  	s30 =	sld [smem:$0x0];
	_ =	sdelay $0x2  }
0xc9: {  	s31 =	sshll.u32 s1, $0xD;
	s1 =	sshrl.u32 s1, $0x2  }
0xca: {  	s4 =	sand.u32 $0x4000, s31;
	s1 =	sadd.s32 s1, s30  }
0xcb: {  	s0 =	sor.u32 s4, s0;
	s1 =	sshll.u32 s1, $0x11  }
0xcc: {  	s0 =	sor.u32 s1, s0  }
0xcd: {  	s0 =	sadd.s32 $0x8F2B, s0  }
0xce: {  	[sflag:s0] =	ssyncadd.remote.s32 $0x1  }
0xcf: {  	_ =	sfence.sel $0xFFFF  }
0xd0: {  	[dreg:$0x0] =	wrdreg $0xFFFFFFFF;
	(pc) =	sbr.abs _section_cstart, $3  }
0xd1: {  	[dreg:$0x1] =	wrdreg $0xFFFFFFFF  }
0xd2: {  	_ =	task.clear_ibuf [dreg:s22], $0x2FFFF;
	_ =	strace $0x9FFFFFFF  }
0xd3: {  	(tm) =	ssettm $0x7FFFFFFF  }
tec
execute0_lowered:
.L_overlay_start_1:
0x0: {  	(tag) =	ssettag $0x1  }
0x1: {  	s1 =	rddreg [dreg:$0x0]  }
0x2: {  	s4 =	rddreg [dreg:$0x1]  }
0x3: {  	s5 =	rddreg [dreg:$0x2];
	s3 =	simm.s32 $0x0  }
0x4: {  	s22 =	simm.s32 $0x880;
	[smem:$0x7FF] =	sst s3  }
0x5: {  	s23 =	simm.s32 $0x1080;
	_ =	strace $0x80000050;
	[dreg:$0x7] =	wrdreg s22  }
0x6: {  	s24 =	simm.s32 $0x1880;
	[dreg:$0x8] =	wrdreg s23  }
0x7: {  	s25 =	simm.s32 $0x2080;
	[dreg:$0x9] =	wrdreg s24  }
0x8: {  	s0 =	stileid.u32;
	s26 =	simm.s32 $0x2880;
	[dreg:$0xa] =	wrdreg s25  }
0x9: {  	s6 =	sshll.u32 s0, $0x5;
	s0 =	simm.s32 $0x3080;
	[dreg:$0xb] =	wrdreg s26  }
0xa: {  	s8 =	simm.s32 $0x5080;
	[dreg:$0xc] =	wrdreg s0  }
0xb: {  	s9 =	simm.s32 $0x5880;
	[dreg:$0x10] =	wrdreg s8  }
0xc: {  	s10 =	simm.s32 $0x6080;
	[dreg:$0x11] =	wrdreg s9  }
0xd: {  	s11 =	simm.s32 $0x6880;
	[dreg:$0x12] =	wrdreg s10  }
0xe: {  	s2 =	srdreg.scid;
	s12 =	simm.s32 $0x7080;
	[dreg:$0x13] =	wrdreg s11  }
0xf: {  	s13 =	simm.s32 $0x7880;
	s14 =	simm.s32 $0x8080;
	[dreg:$0x14] =	wrdreg s12  }
0x10: {  	s15 =	simm.s32 $0x8880;
	s16 =	simm.s32 $0x9080;
	[dreg:$0x15] =	wrdreg s13  }
0x11: {  	s17 =	simm.s32 $0x9880;
	s18 =	simm.s32 $0xA080;
	[dreg:$0x16] =	wrdreg s14  }
0x12: {  	s28 =	simm.s32 $0x16880;
	s29 =	simm.s32 $0x17080;
	[dreg:$0x17] =	wrdreg s15  }
0x13: {  	s30 =	simm.s32 $0x17880;
	s31 =	simm.s32 $0x2;
	[dreg:$0x18] =	wrdreg s16  }
0x14: {  	s2 =	sand.u32 $0x1, s2;
	s5 =	sadd.s32 $0x121600, s5;
	[dreg:$0x19] =	wrdreg s17  }
0x15: {  	s7 =	sshll.u32 s2, $0x4;
	s2 =	ssub.s32 $0x2, s2;
	[dreg:$0x1a] =	wrdreg s18  }
0x16: {  	s22 =	simm.s32 $0xB880;
	s23 =	simm.s32 $0xC880;
	s24 =	simm.s32 $0xD080  }
0x17: {  	s25 =	simm.s32 $0xD880;
	s8 =	simm.s32 $0x80;
	s26 =	simm.s32 $0xE080  }
0x18: {  	s9 =	simm.s32 $0x1;
	s10 =	simm.s32 $0xC080;
	s12 =	simm.s32 $0xF080  }
0x19: {  	s13 =	simm.s32 $0xF880;
	s14 =	simm.s32 $0x10080;
	[dreg:$0x1d] =	wrdreg s22  }
0x1a: {  	s15 =	simm.s32 $0x10880;
	s16 =	simm.s32 $0x11080;
	[dreg:$0x1e] =	wrdreg s23  }
0x1b: {  	s17 =	simm.s32 $0x11880;
	s18 =	simm.s32 $0x12080;
	[dreg:$0x1f] =	wrdreg s24  }
0x1c: {  	s6 =	sor.u32 s7, s6;
	s19 =	sshrl.u32 s2, $0x1;
	[smem:$0x7FC] =	sst s25  }
0x1d: {  	[smem:$0x7FD] =	sst s26;
	s22 =	simm.s32 $0x14080;
	s23 =	simm.s32 $0x14880  }
0x1e: {  	s24 =	simm.s32 $0x15080;
	s25 =	simm.s32 $0x15880;
	s7 =	smul.u32 $0x1800, s6  }
0x1f: {  	s26 =	simm.s32 $0x16080;
	s4 =	sadd.s32 s6, s4;
	s6 =	smul.u32 $0x300, s6  }
0x20: {  	s2 =	ssub.s32 s2, s19;
	s19 =	simm.s32 $0x12880;
	s4 =	sadd.s32 $0x600, s4  }
0x21: {  	s7 =	sshrl.u32 s7, $0x3;
	[dreg:$0x4] =	wrdreg s4;
	s20 =	sadd.s32 s5, s6  }
0x22: {  	s6 =	simm.s32 $0x4080;
	s4 =	sadd.s32 $0x100, s1;
	[dreg:$0x5] =	wrdreg s20  }
0x23: {  	s5 =	sadd.s32 s5, s7;
	[dreg:$0xe] =	wrdreg s6;
	s7 =	simm.s32 $0x4880  }
0x24: {  	s20 =	simm.s32 $0xA880;
	s6 =	smax.u32 s2, $0x1;
	[dreg:$0xf] =	wrdreg s7  }
0x25: {  	s2 =	simm.s32 $0x3;
	s21 =	sadd.s32 $0x1800, s5;
	[dreg:$0x1b] =	wrdreg s20  }
0x26: {  	v2 =	vlaneseq.u32;
	s5 =	simm.s32 $0x3880;
	s7 =	simm.s32 $0x4;
	[dreg:$0x6] =	wrdreg s21  }
0x27: {  	vm0 =	vmmov $0xffff;
	v1 =	vshrl.u32 v2, $0x3;
	s20 =	simm.s32 $0x13080;
	[dreg:$0xd] =	wrdreg s5;
	s21 =	simm.s32 $0xB080  }
0x28: {  	v0 =	vand.u32 $0x7, v2;
	v2 =	vor.u32 $0x8, v2;
	v1 =	vmul.u32 $0x8, v1;
	s5 =	sadd.s32 $0x200, s1;
	[dreg:$0x1c] =	wrdreg s21;
	s21 =	simm.s32 $0x13880  }
.LBB2_1:
0x29: {  	s0 =	rddreg [dreg:$0x4]  }
0x2a: {  	[tilespmem:s3], [sflag:$0x4] =	stream.linear.gather [hbm4b:s0+s3], $0x80, $0x38;
	[tilespmem:$0x18080] =	vst v63  }
0x2b: {  	_ =	swait.ge [sflag:s7], $0x80  }
0x2c: {  	[sflag:s7] =	ssyncset.done $0x0  }
0x2d: {  	[sflag:s7] =	ssyncadd.s32 $0xFFFFFF80  }
0x2e: {  	v3 =	vld [tilespmem:$0x0];
	_ =	sdelay $0x4  }
0x2f: {  	v4 =	vshrl.u32 v3, $0x3  }
0x30: {  	v4 =	vmul.u32 $0x30, v4  }
0x31: {  	v3 =	vand.u32 $0x7, v3  }
0x32: {  	v3 =	vor.u32 v3, v4  }
0x33: {  	v4 =	vperm.xlane v3, v0;
	_ =	sdelay $0x1  }
0x34: {  	v4 =	vadd.s32 v1, v4;
	_ =	sdelay $0x3  }
0x35: {  	v3 =	vperm.xlane v3, v2  }
0x36: {  	[tilespmem:s8], [sflag:$0x1] =	stream.indirect_vreg.gather [hbm4b:s1+s3], $0x80, v4, vm0, $0xb8;
	[tilespmem:$0x18080] =	vst v63  }
0x37: {  	s0 =	rddreg [dreg:$0x7];
	v3 =	vadd.s32 v1, v3  }
0x38: {  	[tilespmem:s0], [sflag:$0x1] =	stream.indirect_vreg.gather [hbm4b:s4+s3], $0x80, v4, vm0, $0xb8;
	[tilespmem:$0x18080] =	vst v63  }
0x39: {  	s11 =	rddreg [dreg:$0x8]  }
0x3a: {  	[tilespmem:s11], [sflag:$0x1] =	stream.indirect_vreg.gather [hbm4b:s5+s3], $0x80, v4, vm0, $0xb8;
	[tilespmem:$0x18080] =	vst v63  }
0x3b: {  	s0 =	rddreg [dreg:$0x9]  }
0x3c: {  	[tilespmem:s0], [sflag:$0x1] =	stream.indirect_vreg.gather [hbm4b:s1+s3], $0x80, v3, vm0, $0xb8;
	[tilespmem:$0x18080] =	vst v63  }
0x3d: {  	s11 =	rddreg [dreg:$0xa]  }
0x3e: {  	[tilespmem:s11], [sflag:$0x1] =	stream.indirect_vreg.gather [hbm4b:s4+s3], $0x80, v3, vm0, $0xb8;
	[tilespmem:$0x18080] =	vst v63  }
0x3f: {  	s0 =	rddreg [dreg:$0xb]  }
0x40: {  	[tilespmem:s0], [sflag:$0x1] =	stream.indirect_vreg.gather [hbm4b:s5+s3], $0x80, v3, vm0, $0xb8;
	[tilespmem:$0x18080] =	vst v63  }
0x41: {  	v3 =	vld [tilespmem:$0x10];
	_ =	sdelay $0x4  }
0x42: {  	v57 =	vshrl.u32 v3, $0x3  }
0x43: {  	v4 =	vmul.u32 $0x30, v57  }
0x44: {  	v3 =	vand.u32 $0x7, v3  }
0x45: {  	v3 =	vor.u32 v3, v4  }
0x46: {  	v4 =	vperm.xlane v3, v0;
	_ =	sdelay $0x1  }
0x47: {  	v4 =	vadd.s32 v1, v4;
	_ =	sdelay $0x3  }
0x48: {  	s0 =	rddreg [dreg:$0xc];
	v3 =	vperm.xlane v3, v2  }
0x49: {  	[tilespmem:s0], [sflag:$0x1] =	stream.indirect_vreg.gather [hbm4b:s1+s3], $0x80, v4, vm0, $0xb8;
	[tilespmem:$0x18080] =	vst v63  }
0x4a: {  	s11 =	rddreg [dreg:$0xd];
	v3 =	vadd.s32 v1, v3  }
0x4b: {  	[tilespmem:s11], [sflag:$0x1] =	stream.indirect_vreg.gather [hbm4b:s4+s3], $0x80, v4, vm0, $0xb8;
	[tilespmem:$0x18080] =	vst v63  }
0x4c: {  	s0 =	rddreg [dreg:$0xe]  }
0x4d: {  	[tilespmem:s0], [sflag:$0x1] =	stream.indirect_vreg.gather [hbm4b:s5+s3], $0x80, v4, vm0, $0xb8;
	[tilespmem:$0x18080] =	vst v63  }
0x4e: {  	s11 =	rddreg [dreg:$0xf]  }
0x4f: {  	[tilespmem:s11], [sflag:$0x1] =	stream.indirect_vreg.gather [hbm4b:s1+s3], $0x80, v3, vm0, $0xb8;
	[tilespmem:$0x18080] =	vst v63  }
0x50: {  	s0 =	rddreg [dreg:$0x10]  }
0x51: {  	[tilespmem:s0], [sflag:$0x1] =	stream.indirect_vreg.gather [hbm4b:s4+s3], $0x80, v3, vm0, $0xb8;
	[tilespmem:$0x18080] =	vst v63  }
0x52: {  	s11 =	rddreg [dreg:$0x11]  }
0x53: {  	[tilespmem:s11], [sflag:$0x1] =	stream.indirect_vreg.gather [hbm4b:s5+s3], $0x80, v3, vm0, $0xb8;
	[tilespmem:$0x18080] =	vst v63  }
0x54: {  	v3 =	vld [tilespmem:$0x20];
	_ =	sdelay $0x4  }
0x55: {  	v58 =	vshrl.u32 v3, $0x3  }
0x56: {  	v4 =	vmul.u32 $0x30, v58  }
0x57: {  	v3 =	vand.u32 $0x7, v3  }
0x58: {  	v3 =	vor.u32 v3, v4  }
0x59: {  	v4 =	vperm.xlane v3, v0;
	_ =	sdelay $0x1  }
0x5a: {  	v4 =	vadd.s32 v1, v4;
	_ =	sdelay $0x3  }
0x5b: {  	s0 =	rddreg [dreg:$0x12];
	v3 =	vperm.xlane v3, v2  }
0x5c: {  	[tilespmem:s0], [sflag:$0x1] =	stream.indirect_vreg.gather [hbm4b:s1+s3], $0x80, v4, vm0, $0xb8;
	[tilespmem:$0x18080] =	vst v63  }
0x5d: {  	s11 =	rddreg [dreg:$0x13];
	v3 =	vadd.s32 v1, v3  }
0x5e: {  	[tilespmem:s11], [sflag:$0x1] =	stream.indirect_vreg.gather [hbm4b:s4+s3], $0x80, v4, vm0, $0xb8;
	[tilespmem:$0x18080] =	vst v63  }
0x5f: {  	s0 =	rddreg [dreg:$0x14]  }
0x60: {  	[tilespmem:s0], [sflag:$0x1] =	stream.indirect_vreg.gather [hbm4b:s5+s3], $0x80, v4, vm0, $0xb8;
	[tilespmem:$0x18080] =	vst v63  }
0x61: {  	s11 =	rddreg [dreg:$0x15]  }
0x62: {  	[tilespmem:s11], [sflag:$0x1] =	stream.indirect_vreg.gather [hbm4b:s1+s3], $0x80, v3, vm0, $0xb8;
	[tilespmem:$0x18080] =	vst v63  }
0x63: {  	s0 =	rddreg [dreg:$0x16]  }
0x64: {  	[tilespmem:s0], [sflag:$0x1] =	stream.indirect_vreg.gather [hbm4b:s4+s3], $0x80, v3, vm0, $0xb8;
	[tilespmem:$0x18080] =	vst v63  }
0x65: {  	s11 =	rddreg [dreg:$0x17]  }
0x66: {  	[tilespmem:s11], [sflag:$0x1] =	stream.indirect_vreg.gather [hbm4b:s5+s3], $0x80, v3, vm0, $0xb8;
	[tilespmem:$0x18080] =	vst v63  }
0x67: {  	v3 =	vld [tilespmem:$0x30];
	_ =	sdelay $0x4  }
0x68: {  	v59 =	vshrl.u32 v3, $0x3  }
0x69: {  	v4 =	vmul.u32 $0x30, v59  }
0x6a: {  	v3 =	vand.u32 $0x7, v3  }
0x6b: {  	v3 =	vor.u32 v3, v4  }
0x6c: {  	v4 =	vperm.xlane v3, v0;
	_ =	sdelay $0x1  }
0x6d: {  	v4 =	vadd.s32 v1, v4;
	_ =	sdelay $0x3  }
0x6e: {  	s0 =	rddreg [dreg:$0x18];
	v3 =	vperm.xlane v3, v2  }
0x6f: {  	[tilespmem:s0], [sflag:$0x1] =	stream.indirect_vreg.gather [hbm4b:s1+s3], $0x80, v4, vm0, $0xb8;
	[tilespmem:$0x18080] =	vst v63  }
0x70: {  	s11 =	rddreg [dreg:$0x19];
	v3 =	vadd.s32 v1, v3  }
0x71: {  	[tilespmem:s11], [sflag:$0x1] =	stream.indirect_vreg.gather [hbm4b:s4+s3], $0x80, v4, vm0, $0xb8;
	[tilespmem:$0x18080] =	vst v63  }
0x72: {  	s0 =	rddreg [dreg:$0x1a]  }
0x73: {  	[tilespmem:s0], [sflag:$0x1] =	stream.indirect_vreg.gather [hbm4b:s5+s3], $0x80, v4, vm0, $0xb8;
	[tilespmem:$0x18080] =	vst v63  }
0x74: {  	s11 =	rddreg [dreg:$0x1b]  }
0x75: {  	[tilespmem:s11], [sflag:$0x1] =	stream.indirect_vreg.gather [hbm4b:s1+s3], $0x80, v3, vm0, $0xb8;
	[tilespmem:$0x18080] =	vst v63  }
0x76: {  	s0 =	rddreg [dreg:$0x1c]  }
0x77: {  	[tilespmem:s0], [sflag:$0x1] =	stream.indirect_vreg.gather [hbm4b:s4+s3], $0x80, v3, vm0, $0xb8;
	[tilespmem:$0x18080] =	vst v63  }
0x78: {  	s11 =	rddreg [dreg:$0x1d]  }
0x79: {  	[tilespmem:s11], [sflag:$0x1] =	stream.indirect_vreg.gather [hbm4b:s5+s3], $0x80, v3, vm0, $0xb8;
	[tilespmem:$0x18080] =	vst v63  }
0x7a: {  	_ =	swait.ge [sflag:s9], $0xC000  }
0x7b: {  	[sflag:s9] =	ssyncset.done $0x0  }
0x7c: {  	[sflag:s9] =	ssyncadd.s32 $0xFFFF4000  }
0x7d: {  	v3 =	vld [tilespmem:$0x40];
	_ =	sdelay $0x4  }
0x7e: {  	v60 =	vshrl.u32 v3, $0x3  }
0x7f: {  	v4 =	vmul.u32 $0x30, v60  }
0x80: {  	v3 =	vand.u32 $0x7, v3  }
0x81: {  	v3 =	vor.u32 v3, v4  }
0x82: {  	v4 =	vperm.xlane v3, v0;
	_ =	sdelay $0x1  }
0x83: {  	v4 =	vadd.s32 v1, v4;
	_ =	sdelay $0x3  }
0x84: {  	s0 =	rddreg [dreg:$0x1e];
	v3 =	vperm.xlane v3, v2  }
0x85: {  	[tilespmem:s10], [sflag:$0x1] =	stream.indirect_vreg.gather [hbm4b:s1+s3], $0x80, v4, vm0, $0xb8;
	[tilespmem:$0x18080] =	vst v63  }
0x86: {  	s11 =	rddreg [dreg:$0x1f];
	v3 =	vadd.s32 v1, v3  }
0x87: {  	[tilespmem:s0], [sflag:$0x1] =	stream.indirect_vreg.gather [hbm4b:s4+s3], $0x80, v4, vm0, $0xb8;
	[tilespmem:$0x18080] =	vst v63  }
0x88: {  	s0 =	sld [smem:$0x7FC]  }
0x89: {  	[tilespmem:s11], [sflag:$0x1] =	stream.indirect_vreg.gather [hbm4b:s5+s3], $0x80, v4, vm0, $0xb8;
	[tilespmem:$0x18080] =	vst v63  }
0x8a: {  	s11 =	sld [smem:$0x7FD]  }
0x8b: {  	[tilespmem:s0], [sflag:$0x1] =	stream.indirect_vreg.gather [hbm4b:s1+s3], $0x80, v3, vm0, $0xb8;
	[tilespmem:$0x18080] =	vst v63  }
0x8c: {  	_ = 	snop  }
0x8d: {  	[tilespmem:s11], [sflag:$0x1] =	stream.indirect_vreg.gather [hbm4b:s4+s3], $0x80, v3, vm0, $0xb8;
	[tilespmem:$0x18080] =	vst v63  }
0x8e: {  	s11 =	simm.s32 $0xE880  }
0x8f: {  	[tilespmem:s11], [sflag:$0x1] =	stream.indirect_vreg.gather [hbm4b:s5+s3], $0x80, v3, vm0, $0xb8;
	[tilespmem:$0x18080] =	vst v63  }
0x90: {  	v3 =	vld [tilespmem:$0x50];
	_ =	sdelay $0x4  }
0x91: {  	v61 =	vshrl.u32 v3, $0x3  }
0x92: {  	v4 =	vmul.u32 $0x30, v61  }
0x93: {  	v3 =	vand.u32 $0x7, v3  }
0x94: {  	v3 =	vor.u32 v3, v4  }
0x95: {  	v4 =	vperm.xlane v3, v0;
	_ =	sdelay $0x1  }
0x96: {  	v4 =	vadd.s32 v1, v4;
	_ =	sdelay $0x3  }
0x97: {  	v3 =	vperm.xlane v3, v2  }
0x98: {  	[tilespmem:s12], [sflag:$0x1] =	stream.indirect_vreg.gather [hbm4b:s1+s3], $0x80, v4, vm0, $0xb8;
	[tilespmem:$0x18080] =	vst v63  }
0x99: {  	v3 =	vadd.s32 v1, v3  }
0x9a: {  	[tilespmem:s13], [sflag:$0x1] =	stream.indirect_vreg.gather [hbm4b:s4+s3], $0x80, v4, vm0, $0xb8;
	[tilespmem:$0x18080] =	vst v63  }
0x9b: {  	_ = 	snop  }
0x9c: {  	[tilespmem:s14], [sflag:$0x1] =	stream.indirect_vreg.gather [hbm4b:s5+s3], $0x80, v4, vm0, $0xb8;
	[tilespmem:$0x18080] =	vst v63  }
0x9d: {  	_ = 	snop  }
0x9e: {  	[tilespmem:s15], [sflag:$0x1] =	stream.indirect_vreg.gather [hbm4b:s1+s3], $0x80, v3, vm0, $0xb8;
	[tilespmem:$0x18080] =	vst v63  }
0x9f: {  	_ = 	snop  }
0xa0: {  	[tilespmem:s16], [sflag:$0x1] =	stream.indirect_vreg.gather [hbm4b:s4+s3], $0x80, v3, vm0, $0xb8;
	[tilespmem:$0x18080] =	vst v63  }
0xa1: {  	_ = 	snop  }
0xa2: {  	[tilespmem:s17], [sflag:$0x1] =	stream.indirect_vreg.gather [hbm4b:s5+s3], $0x80, v3, vm0, $0xb8;
	[tilespmem:$0x18080] =	vst v63  }
0xa3: {  	v3 =	vld [tilespmem:$0x60];
	_ =	sdelay $0x4  }
0xa4: {  	v62 =	vshrl.u32 v3, $0x3  }
0xa5: {  	v4 =	vmul.u32 $0x30, v62  }
0xa6: {  	v3 =	vand.u32 $0x7, v3  }
0xa7: {  	v3 =	vor.u32 v3, v4  }
0xa8: {  	v4 =	vperm.xlane v3, v0;
	_ =	sdelay $0x1  }
0xa9: {  	v4 =	vadd.s32 v1, v4;
	_ =	sdelay $0x3  }
0xaa: {  	v3 =	vperm.xlane v3, v2  }
0xab: {  	[tilespmem:s18], [sflag:$0x1] =	stream.indirect_vreg.gather [hbm4b:s1+s3], $0x80, v4, vm0, $0xb8;
	[tilespmem:$0x18080] =	vst v63  }
0xac: {  	v3 =	vadd.s32 v1, v3  }
0xad: {  	[tilespmem:s19], [sflag:$0x1] =	stream.indirect_vreg.gather [hbm4b:s4+s3], $0x80, v4, vm0, $0xb8;
	[tilespmem:$0x18080] =	vst v63  }
0xae: {  	_ = 	snop  }
0xaf: {  	[tilespmem:s20], [sflag:$0x1] =	stream.indirect_vreg.gather [hbm4b:s5+s3], $0x80, v4, vm0, $0xb8;
	[tilespmem:$0x18080] =	vst v63  }
0xb0: {  	_ = 	snop  }
0xb1: {  	[tilespmem:s21], [sflag:$0x1] =	stream.indirect_vreg.gather [hbm4b:s1+s3], $0x80, v3, vm0, $0xb8;
	[tilespmem:$0x18080] =	vst v63  }
0xb2: {  	_ = 	snop  }
0xb3: {  	[tilespmem:s22], [sflag:$0x1] =	stream.indirect_vreg.gather [hbm4b:s4+s3], $0x80, v3, vm0, $0xb8;
	[tilespmem:$0x18080] =	vst v63  }
0xb4: {  	_ = 	snop  }
0xb5: {  	[tilespmem:s23], [sflag:$0x1] =	stream.indirect_vreg.gather [hbm4b:s5+s3], $0x80, v3, vm0, $0xb8;
	[tilespmem:$0x18080] =	vst v63  }
0xb6: {  	v3 =	vld [tilespmem:$0x70];
	_ =	sdelay $0x4  }
0xb7: {  	v63 =	vshrl.u32 v3, $0x3  }
0xb8: {  	v4 =	vmul.u32 $0x30, v63  }
0xb9: {  	v3 =	vand.u32 $0x7, v3  }
0xba: {  	v3 =	vor.u32 v3, v4  }
0xbb: {  	v4 =	vperm.xlane v3, v0;
	_ =	sdelay $0x1  }
0xbc: {  	v4 =	vadd.s32 v1, v4;
	_ =	sdelay $0x3  }
0xbd: {  	v3 =	vperm.xlane v3, v2  }
0xbe: {  	[tilespmem:s24], [sflag:$0x1] =	stream.indirect_vreg.gather [hbm4b:s1+s3], $0x80, v4, vm0, $0xb8;
	[tilespmem:$0x18080] =	vst v63  }
0xbf: {  	v3 =	vadd.s32 v1, v3  }
0xc0: {  	[tilespmem:s25], [sflag:$0x1] =	stream.indirect_vreg.gather [hbm4b:s4+s3], $0x80, v4, vm0, $0xb8;
	[tilespmem:$0x18080] =	vst v63  }
0xc1: {  	_ = 	snop  }
0xc2: {  	[tilespmem:s26], [sflag:$0x1] =	stream.indirect_vreg.gather [hbm4b:s5+s3], $0x80, v4, vm0, $0xb8;
	[tilespmem:$0x18080] =	vst v63  }
0xc3: {  	_ = 	snop  }
0xc4: {  	[tilespmem:s28], [sflag:$0x1] =	stream.indirect_vreg.gather [hbm4b:s1+s3], $0x80, v3, vm0, $0xb8;
	[tilespmem:$0x18080] =	vst v63  }
0xc5: {  	_ = 	snop  }
0xc6: {  	[tilespmem:s29], [sflag:$0x1] =	stream.indirect_vreg.gather [hbm4b:s4+s3], $0x80, v3, vm0, $0xb8;
	[tilespmem:$0x18080] =	vst v63  }
0xc7: {  	_ = 	snop  }
0xc8: {  	[tilespmem:s30], [sflag:$0x1] =	stream.indirect_vreg.gather [hbm4b:s5+s3], $0x80, v3, vm0, $0xb8;
	[tilespmem:$0x18080] =	vst v63  }
0xc9: {  	s11 =	rddreg [dreg:$0x5]  }
0xca: {  	[hbm4b:s11+s3] =	stream.linear.scatter [tilespmem:s8], [sflag:$0x2], $0xC000, $0x38;
	[tilespmem:$0x18080] =	vst v63  }
0xcb: {  	_ =	swait.ge [sflag:s9], $0xC000  }
0xcc: {  	[sflag:s9] =	ssyncset.done $0x0  }
0xcd: {  	s11 =	rddreg [dreg:$0x6];
	[sflag:s9] =	ssyncadd.s32 $0xFFFF4000  }
0xce: {  	[hbm4b:s11+s3] =	stream.linear.scatter [tilespmem:s10], [sflag:$0x3], $0xC000, $0x38;
	[tilespmem:$0x18080] =	vst v63  }
0xcf: {  	p0 =	sne.s32 s6, $0x1;
	_ =	swait.ge [sflag:s31], $0xC000  }
.Ltmp0:
0xd0: {  	[sflag:s31] =	ssyncset.done $0x0;
	(pc) =	sbr.rel @p0 .LBB2_1-.Ltmp0, $4  }
0xd1: {  	[sflag:s31] =	ssyncadd.s32 $0xFFFF4000  }
0xd2: {  	_ =	swait.ge [sflag:s2], $0xC000  }
0xd3: {  	[sflag:s2] =	ssyncset.done $0x0  }
0xd4: {  	s6 =	sadd.s32 $0xFFFFFFFF, s6;
	[sflag:s2] =	ssyncadd.s32 $0xFFFF4000  }
0xd5: {  	_ =	sfence.sel $0x180000  }
0xd6: {  	[bflag:$0x0] =	sbarrier.arrive $0xFFFF  }
0xd7: {  	_ =	strace $0x90000050  }
0xd8: {  	s0 =	stileid.u32;
	[bflag:$0x2] =	sbarrier.arrive $0xFFFF  }
0xd9: {  	p0 =	sne.s32 s0, $0x0;
	s0 =	rddreg [dreg:$0x3]  }
0xda: {  	s0 =	sadd.s32 @!p0 $0x100000, s0  }
0xdb: {  	[sflag:s0] =	ssyncadd.tile.s32 @!p0 $0x1;
	_ =	shalt  }
.Lfunc_end2:
_tile_overlayer_lowered:
.L_overlay_start_2:
0xdc: {  	(tag) =	ssettag $0x2  }
0xdd: {  	s0 =	rddreg [dreg:$0x0];
	s2 =	stileid.u32  }
0xde: {  	s1 =	rddreg [dreg:$0x1];
	p0 =	sne.s32 s2, $0x0  }
0xdf: {  	s3 =	rddreg [dreg:$0x2];
	[bflag:$0x3] =	sbarrier.arrive $0xFFFF;
	s2 =	simm.s32 @!p0 $0x1C04  }
0xe0: {  	[timem:s3], [sflag:s2] =	dma.local @!p0 [hbm:s0], s1  }
0xe1: {  	s0 =	simm.s32 @!p0 $0x4  }
0xe2: {  	_ =	swait.ge @!p0 [sflag:s0], s1  }
0xe3: {  	s1 =	ssub.s32 @!p0 $0x0, s1;
	[sflag:s0] =	ssyncset.done @!p0 $0x0  }
0xe4: {  	[sflag:s0] =	ssyncadd.s32 @!p0 s1  }
0xe5: {  	[bflag:$0x3] =	sbarrier.arrive $0xFFFF  }
0xe6: {  	_ =	shalt  }

</sc_bundles>
